<compile_context>
chip_gen: v7x
topology: tpu7x:2x2x1
jax: 0.10.2.dev20260603
libtpu: 0.0.44.dev20260713+nightly
codegen_flags: <defaults>
</compile_context>

<pallas_src>
import functools

import jax
import jax.numpy as jnp
from jax import lax
from jax.experimental import pallas as pl
from jax.experimental.pallas import tpu as pltpu
from jax.experimental.pallas import tpu_sc as plsc

_NEG_POS_RATIO = 3.0


def _tc_body(scores_ref, labels_ref, out_ref, ce_buf, aux_buf):
    b = pl.program_id(0)
    nb = pl.num_programs(0)

    xt = scores_ref[...].T
    labt = labels_ref[...]
    p = xt.shape[1]

    mx = jnp.max(xt, axis=0, keepdims=True)
    e = jnp.exp(xt - mx)
    se = jnp.sum(e, axis=0, keepdims=True)
    lse = jnp.log(se) + mx
    cls = jax.lax.broadcasted_iota(jnp.int32, xt.shape, 0)
    xlab = jnp.sum(jnp.where(cls == labt, xt, 0.0), axis=0, keepdims=True)
    ce = lse - xlab
    pos = labt > 0

    ce_buf[pl.ds(b, 1), :] = jnp.maximum(jnp.where(pos, 0.0, ce), 0.0)

    npos = jnp.sum(jnp.where(pos, 1.0, 0.0))
    cepos = jnp.sum(jnp.where(pos, ce, 0.0))
    li = jax.lax.broadcasted_iota(jnp.int32, (1, 128), 1)
    aux_buf[pl.ds(b, 1), :] = jnp.where(li == 0, npos,
                                        jnp.where(li == 1, cepos, 0.0))

    @pl.when(b == nb - 1)
    def _finalize():
        ce_all = ce_buf[...]
        aux_all = aux_buf[...]
        nrows = ce_all.shape[0]
        npos_c = aux_all[:, 0:1]
        negcnt = p - npos_c
        k = jnp.minimum(_NEG_POS_RATIO * npos_c, negcnt)

        ce_pos = jnp.sum(aux_all[:, 1:2])
        total_pos = jnp.maximum(jnp.sum(npos_c), 1.0)

        rowsum = jnp.sum(ce_all, axis=1, keepdims=True)
        fast = jnp.all((k >= negcnt) | (k <= 0.0))
        lo2 = jax.lax.broadcasted_iota(jnp.int32, (1, 2), 1)

        @pl.when(fast)
        def _():
            conf = jnp.sum(jnp.where(k > 0.0, rowsum, 0.0))
            out_ref[...] = jnp.where(lo2 == 0, ce_pos + conf, total_pos)

        @pl.when(jnp.logical_not(fast))
        def _():
            u = jax.lax.bitcast_convert_type(ce_all, jnp.int32)
            lo0 = jnp.zeros((nrows, 1), jnp.int32)
            hi0 = jnp.full((nrows, 1), jnp.int32(0x7F800000))

            def step(_, carry):
                lo, hi = carry
                mid = lo + jax.lax.shift_right_logical(hi - lo, 1)
                cnt = jnp.sum(jnp.where(u >= mid, 1.0, 0.0),
                              axis=1, keepdims=True)
                go = cnt >= k
                return jnp.where(go, mid, lo), jnp.where(go, hi, mid)

            lo, _ = jax.lax.fori_loop(0, 31, step, (lo0, hi0))
            t = jax.lax.bitcast_convert_type(lo, jnp.float32)
            gt = ce_all > t
            cnt_gt = jnp.sum(jnp.where(gt, 1.0, 0.0), axis=1, keepdims=True)
            sum_gt = jnp.sum(jnp.where(gt, ce_all, 0.0),
                             axis=1, keepdims=True)
            topk = sum_gt + (k - cnt_gt) * t
            conf = jnp.sum(jnp.where(k > 0.0, topk, 0.0))
            out_ref[...] = jnp.where(lo2 == 0, ce_pos + conf, total_pos)


def _sc_body(rows_per_w, n_chunks, plocs_hbm, glocs_hbm, labels_hbm, out_hbm,
             pv, gv, lv, acc_v, sem):
    nc = plsc.get_sparse_core_info().num_cores
    wid = lax.axis_index("s") * nc + lax.axis_index("c")
    lane = lax.iota(jnp.int32, 16)
    grp = lax.shift_right_logical(lane, 2)
    q0 = grp == 0
    q1 = grp == 1
    q2 = grp == 2

    n_quads = n_chunks // 4
    tail = n_chunks % 4

    def do_chunk(labs16, lb, off, acc):
        s0 = labs16[lb]
        s1 = labs16[lb + 1]
        s2 = labs16[lb + 2]
        s3 = labs16[lb + 3]
        labs = jnp.where(q0, s0, jnp.where(q1, s1, jnp.where(q2, s2, s3)))
        d = jnp.where(labs > 0, pv[pl.ds(off, 16)] - gv[pl.ds(off, 16)], 0.0)
        ad = jnp.abs(d)
        return acc + jnp.where(ad < 1.0, 0.5 * d * d, ad - 0.5)

    total = jnp.zeros((16,), jnp.float32)
    for r in range(rows_per_w):
        row = rows_per_w * wid + r
        cps = [pltpu.async_copy(plocs_hbm.at[row], pv, sem),
               pltpu.async_copy(glocs_hbm.at[row], gv, sem),
               pltpu.async_copy(labels_hbm.at[row], lv, sem)]
        for cp in cps:
            cp.wait()

        def quad(j, acc):
            labs16 = lv[pl.ds(16 * j, 16)]
            for v in range(4):
                acc = do_chunk(labs16, 4 * v, 64 * j + 16 * v, acc)
            return acc

        total = lax.fori_loop(0, n_quads, quad, total)
        if tail:
            labs16 = lv[pl.ds(labels_hbm.shape[1] - 16, 16)]
            for v in range(tail):
                total = do_chunk(labs16, 16 - 4 * tail + 4 * v,
                                 64 * n_quads + 16 * v, total)
    acc_v[...] = total
    pltpu.sync_copy(acc_v, out_hbm.at[wid])


def kernel(predicted_locs, predicted_scores, gt_locs, gt_labels):
    B, P, C = predicted_scores.shape
    labels_i = gt_labels.astype(jnp.int32)
    labels3 = labels_i.reshape(B, 1, P)

    info = plsc.get_sparse_core_info()
    nw = info.num_cores * info.num_subcores
    rows_per_w = B // nw
    n_chunks = (4 * P) // 16
    mesh = plsc.VectorSubcoreMesh(core_axis_name="c", subcore_axis_name="s")
    sc_loc = functools.partial(
        pl.kernel,
        mesh=mesh,
        out_type=jax.ShapeDtypeStruct((nw, 16), jnp.float32),
        scratch_types=[
            pltpu.VMEM((4 * P,), jnp.float32),
            pltpu.VMEM((4 * P,), jnp.float32),
            pltpu.VMEM((P,), jnp.int32),
            pltpu.VMEM((16,), jnp.float32),
            pltpu.SemaphoreType.DMA,
        ],
    )(functools.partial(_sc_body, rows_per_w, n_chunks))
    loc_parts = sc_loc(predicted_locs.reshape(B, 4 * P),
                       gt_locs.reshape(B, 4 * P), labels_i)

    tc_out = pl.pallas_call(
        _tc_body,
        grid=(B,),
        in_specs=[
            pl.BlockSpec((None, P, C), lambda b: (b, 0, 0)),
            pl.BlockSpec((None, 1, P), lambda b: (b, 0, 0)),
        ],
        out_specs=pl.BlockSpec((1, 2), lambda b: (0, 0)),
        out_shape=jax.ShapeDtypeStruct((1, 2), jnp.float32),
        scratch_shapes=[
            pltpu.VMEM((B, P), jnp.float32),
            pltpu.VMEM((B, 128), jnp.float32),
        ],
        compiler_params=pltpu.CompilerParams(
            dimension_semantics=("arbitrary",)),
    )(predicted_scores, labels3)

    loc_sum = jnp.sum(loc_parts)
    return (tc_out[0, 0] + loc_sum) / tc_out[0, 1]

# --- scband reference (transcript-rebuilt; emitter-appended) ---
"""Pipeline reference for scband-multi-box-loss-11287174054481 (READ-ONLY COPY).

The authoritative reference and input builder live on the scoring server;
editing this copy changes nothing except your own understanding.
"""

import jax, jax.numpy as jnp
import numpy as np

NUM_CLASSES = 81
NEG_POS_RATIO = 3
ALPHA = 1.0


def setup_inputs(seed: int = 0) -> dict:
    key = jax.random.key(seed)
    k1, k2, k3, k4 = jax.random.split(key, 4)
    B, P, C = 64, 8732, NUM_CLASSES
    predicted_locs = jax.random.normal(k1, (B, P, 4), dtype=jnp.float32)
    predicted_scores = jax.random.normal(k2, (B, P, C), dtype=jnp.float32)
    gt_locs = jax.random.normal(k3, (B, P, 4), dtype=jnp.float32)
    gt_labels = jax.random.randint(k4, (B, P), 0, C)
    return {
        "predicted_locs": predicted_locs,
        "predicted_scores": predicted_scores,
        "gt_locs": gt_locs,
        "gt_labels": gt_labels,
    }


def _smooth_l1(x):
    ax = jnp.abs(x)
    return jnp.where(ax < 1.0, 0.5 * x * x, ax - 0.5)


def reference(predicted_locs, predicted_scores, gt_locs, gt_labels):
    # Standard SSD MultiBoxLoss: smooth-L1 localization loss on positive priors
    # + cross-entropy classification loss with hard negative mining (neg:pos = 3:1).
    B, P, C = predicted_scores.shape
    pos = gt_labels > 0  # [B, P] positive (object) priors
    n_pos = pos.sum(axis=1)  # [B]
    total_pos = jnp.maximum(n_pos.sum(), 1).astype(jnp.float32)

    # Localization loss (only over positive priors)
    loc_l1 = _smooth_l1(predicted_locs - gt_locs).sum(axis=-1)  # [B, P]
    loc_loss = jnp.where(pos, loc_l1, 0.0).sum() / total_pos

    # Per-prior cross-entropy
    logp = jax.nn.log_softmax(predicted_scores, axis=-1)
    ce = -jnp.take_along_axis(logp, gt_labels[..., None].astype(jnp.int32), axis=-1)[..., 0]  # [B, P]

    # Hard negative mining: rank negatives by loss (positives excluded from ranking)
    ce_neg = jnp.where(pos, 0.0, ce)
    order = jnp.argsort(-ce_neg, axis=1)  # descending loss
    rank = jnp.argsort(order, axis=1)     # rank of each prior
    n_neg = jnp.minimum(NEG_POS_RATIO * n_pos, P - n_pos)  # [B]
    neg = (rank < n_neg[:, None]) & (~pos)

    conf_loss = jnp.where(pos | neg, ce, 0.0).sum() / total_pos
    return loc_loss + ALPHA * conf_loss

if __name__ == "__main__":
    import jax
    _d = setup_inputs()
    print(jax.jit(kernel)(*tuple(_d.values())))

</pallas_src>

<mosaic_0001>
#map = affine_map<(d0, d1) -> (0, 0)>
module attributes {stable_mosaic.version = 14 : i64} {
  func.func @_sc_body(%arg0: i32, %arg1: i32, %arg2: memref<64x34928xf32, #tpu.memory_space<hbm>>, %arg3: memref<64x34928xf32, #tpu.memory_space<hbm>>, %arg4: memref<64x8732xi32, #tpu.memory_space<hbm>>, %arg5: memref<32x16xf32, #tpu.memory_space<hbm>>, %arg6: memref<34928xf32, #tpu.memory_space<vmem>>, %arg7: memref<34928xf32, #tpu.memory_space<vmem>>, %arg8: memref<8732xi32, #tpu.memory_space<vmem>>, %arg9: memref<16xf32, #tpu.memory_space<vmem>>, %arg10: memref<!tpu.dma_semaphore, #tpu.memory_space<semaphore_mem>>) attributes {dimension_semantics = [#tpu.dimension_semantics<core_parallel>, #tpu.dimension_semantics<subcore_parallel>], iteration_bounds = array<i64: 2, 16>, scalar_prefetch = 0 : i64, scratch_operands = 5 : i64, tpu.core_type = #tpu.core_type<sc_vector_subcore>, window_params = [{transform_indices = #map}, {transform_indices = #map}, {transform_indices = #map}, {transform_indices = #map}]} {
    %mul3A = arith.constant 2 : i32
    %mul3A_0 = arith.muli %arg1, %mul3A : i32
    %add3A = arith.addi %mul3A_0, %arg0 : i32
    %iota3A = tpu.iota {dimensions = array<i32: 0>} : vector<16xi32>
    %shift_right_logical3A = arith.constant 2 : i32
    %shift_right_logical3A_1 = vector.broadcast %shift_right_logical3A : i32 to vector<16xi32>
    %shift_right_logical3A_2 = arith.shrui %iota3A, %shift_right_logical3A_1 : vector<16xi32>
    %eq3A = arith.constant 0 : i32
    %eq3A_3 = vector.broadcast %eq3A : i32 to vector<16xi32>
    %eq3A_4 = arith.cmpi eq, %shift_right_logical3A_2, %eq3A_3 : vector<16xi32>
    %eq3A_5 = arith.constant 1 : i32
    %eq3A_6 = vector.broadcast %eq3A_5 : i32 to vector<16xi32>
    %eq3A_7 = arith.cmpi eq, %shift_right_logical3A_2, %eq3A_6 : vector<16xi32>
    %eq3A_8 = arith.constant 2 : i32
    %eq3A_9 = vector.broadcast %eq3A_8 : i32 to vector<16xi32>
    %eq3A_10 = arith.cmpi eq, %shift_right_logical3A_2, %eq3A_9 : vector<16xi32>
    %broadcast_in_dim3A = arith.constant 0.000000e+00 : f32
    %broadcast_in_dim3A_11 = vector.broadcast %broadcast_in_dim3A : f32 to vector<16xf32>
    %mul3A_12 = arith.constant 2 : i32
    %mul3A_13 = arith.muli %mul3A_12, %add3A : i32
    %add3A_14 = arith.constant 0 : i32
    %add3A_15 = arith.addi %mul3A_13, %add3A_14 : i32
    %dma_start3A = arith.constant 0 : i32
    %dma_start3A_16 = tpu.memref_slice %arg2[%add3A_15, %dma_start3A] : memref<64x34928xf32, #tpu.memory_space<hbm>> -> memref<1x34928xf32, #tpu.memory_space<hbm>>
    %dma_start3A_17 = tpu.memref_squeeze %dma_start3A_16 : memref<1x34928xf32, #tpu.memory_space<hbm>> -> memref<34928xf32, #tpu.memory_space<hbm>>
    %dma_start3A_18 = arith.constant 0 : i32
    %dma_start3A_19 = tpu.memref_slice %arg2[%add3A_15, %dma_start3A_18] : memref<64x34928xf32, #tpu.memory_space<hbm>> -> memref<1x34928xf32, #tpu.memory_space<hbm>>
    %dma_start3A_20 = tpu.memref_squeeze %dma_start3A_19 : memref<1x34928xf32, #tpu.memory_space<hbm>> -> memref<34928xf32, #tpu.memory_space<hbm>>
    tpu.enqueue_dma source(%dma_start3A_20 : memref<34928xf32, #tpu.memory_space<hbm>>) target(%arg6 : memref<34928xf32, #tpu.memory_space<vmem>>) target_semaphore(%arg10 : memref<!tpu.dma_semaphore, #tpu.memory_space<semaphore_mem>>)
    %dma_start3A_21 = arith.constant 0 : i32
    %dma_start3A_22 = tpu.memref_slice %arg3[%add3A_15, %dma_start3A_21] : memref<64x34928xf32, #tpu.memory_space<hbm>> -> memref<1x34928xf32, #tpu.memory_space<hbm>>
    %dma_start3A_23 = tpu.memref_squeeze %dma_start3A_22 : memref<1x34928xf32, #tpu.memory_space<hbm>> -> memref<34928xf32, #tpu.memory_space<hbm>>
    %dma_start3A_24 = arith.constant 0 : i32
    %dma_start3A_25 = tpu.memref_slice %arg3[%add3A_15, %dma_start3A_24] : memref<64x34928xf32, #tpu.memory_space<hbm>> -> memref<1x34928xf32, #tpu.memory_space<hbm>>
    %dma_start3A_26 = tpu.memref_squeeze %dma_start3A_25 : memref<1x34928xf32, #tpu.memory_space<hbm>> -> memref<34928xf32, #tpu.memory_space<hbm>>
    tpu.enqueue_dma source(%dma_start3A_26 : memref<34928xf32, #tpu.memory_space<hbm>>) target(%arg7 : memref<34928xf32, #tpu.memory_space<vmem>>) target_semaphore(%arg10 : memref<!tpu.dma_semaphore, #tpu.memory_space<semaphore_mem>>)
    %dma_start3A_27 = arith.constant 0 : i32
    %dma_start3A_28 = tpu.memref_slice %arg4[%add3A_15, %dma_start3A_27] : memref<64x8732xi32, #tpu.memory_space<hbm>> -> memref<1x8732xi32, #tpu.memory_space<hbm>>
    %dma_start3A_29 = tpu.memref_squeeze %dma_start3A_28 : memref<1x8732xi32, #tpu.memory_space<hbm>> -> memref<8732xi32, #tpu.memory_space<hbm>>
    %dma_start3A_30 = arith.constant 0 : i32
    %dma_start3A_31 = tpu.memref_slice %arg4[%add3A_15, %dma_start3A_30] : memref<64x8732xi32, #tpu.memory_space<hbm>> -> memref<1x8732xi32, #tpu.memory_space<hbm>>
    %dma_start3A_32 = tpu.memref_squeeze %dma_start3A_31 : memref<1x8732xi32, #tpu.memory_space<hbm>> -> memref<8732xi32, #tpu.memory_space<hbm>>
    tpu.enqueue_dma source(%dma_start3A_32 : memref<8732xi32, #tpu.memory_space<hbm>>) target(%arg8 : memref<8732xi32, #tpu.memory_space<vmem>>) target_semaphore(%arg10 : memref<!tpu.dma_semaphore, #tpu.memory_space<semaphore_mem>>)
    %dma_wait3A = arith.constant 0 : i32
    %dma_wait3A_33 = tpu.memref_slice %arg2[%add3A_15, %dma_wait3A] : memref<64x34928xf32, #tpu.memory_space<hbm>> -> memref<1x34928xf32, #tpu.memory_space<hbm>>
    %dma_wait3A_34 = tpu.memref_squeeze %dma_wait3A_33 : memref<1x34928xf32, #tpu.memory_space<hbm>> -> memref<34928xf32, #tpu.memory_space<hbm>>
    %dma_wait3A_35 = arith.constant 0 : i32
    %dma_wait3A_36 = tpu.memref_slice %arg2[%add3A_15, %dma_wait3A_35] : memref<64x34928xf32, #tpu.memory_space<hbm>> -> memref<1x34928xf32, #tpu.memory_space<hbm>>
    %dma_wait3A_37 = tpu.memref_squeeze %dma_wait3A_36 : memref<1x34928xf32, #tpu.memory_space<hbm>> -> memref<34928xf32, #tpu.memory_space<hbm>>
    tpu.wait_dma2 semaphore(%arg10 : memref<!tpu.dma_semaphore, #tpu.memory_space<semaphore_mem>>) src(%dma_wait3A_37 : memref<34928xf32, #tpu.memory_space<hbm>>) dst(%arg6 : memref<34928xf32, #tpu.memory_space<vmem>>)
    %dma_wait3A_38 = arith.constant 0 : i32
    %dma_wait3A_39 = tpu.memref_slice %arg3[%add3A_15, %dma_wait3A_38] : memref<64x34928xf32, #tpu.memory_space<hbm>> -> memref<1x34928xf32, #tpu.memory_space<hbm>>
    %dma_wait3A_40 = tpu.memref_squeeze %dma_wait3A_39 : memref<1x34928xf32, #tpu.memory_space<hbm>> -> memref<34928xf32, #tpu.memory_space<hbm>>
    %dma_wait3A_41 = arith.constant 0 : i32
    %dma_wait3A_42 = tpu.memref_slice %arg3[%add3A_15, %dma_wait3A_41] : memref<64x34928xf32, #tpu.memory_space<hbm>> -> memref<1x34928xf32, #tpu.memory_space<hbm>>
    %dma_wait3A_43 = tpu.memref_squeeze %dma_wait3A_42 : memref<1x34928xf32, #tpu.memory_space<hbm>> -> memref<34928xf32, #tpu.memory_space<hbm>>
    tpu.wait_dma2 semaphore(%arg10 : memref<!tpu.dma_semaphore, #tpu.memory_space<semaphore_mem>>) src(%dma_wait3A_43 : memref<34928xf32, #tpu.memory_space<hbm>>) dst(%arg7 : memref<34928xf32, #tpu.memory_space<vmem>>)
    %dma_wait3A_44 = arith.constant 0 : i32
    %dma_wait3A_45 = tpu.memref_slice %arg4[%add3A_15, %dma_wait3A_44] : memref<64x8732xi32, #tpu.memory_space<hbm>> -> memref<1x8732xi32, #tpu.memory_space<hbm>>
    %dma_wait3A_46 = tpu.memref_squeeze %dma_wait3A_45 : memref<1x8732xi32, #tpu.memory_space<hbm>> -> memref<8732xi32, #tpu.memory_space<hbm>>
    %dma_wait3A_47 = arith.constant 0 : i32
    %dma_wait3A_48 = tpu.memref_slice %arg4[%add3A_15, %dma_wait3A_47] : memref<64x8732xi32, #tpu.memory_space<hbm>> -> memref<1x8732xi32, #tpu.memory_space<hbm>>
    %dma_wait3A_49 = tpu.memref_squeeze %dma_wait3A_48 : memref<1x8732xi32, #tpu.memory_space<hbm>> -> memref<8732xi32, #tpu.memory_space<hbm>>
    tpu.wait_dma2 semaphore(%arg10 : memref<!tpu.dma_semaphore, #tpu.memory_space<semaphore_mem>>) src(%dma_wait3A_49 : memref<8732xi32, #tpu.memory_space<hbm>>) dst(%arg8 : memref<8732xi32, #tpu.memory_space<vmem>>)
    %scan3A = arith.constant 0 : i32
    %scan3A_50 = arith.constant 545 : i32
    %scan3A_51 = arith.addi %scan3A, %scan3A_50 : i32
    %scan3A_52 = arith.constant 1 : i32
    %scan3A_53 = scf.for %scan3A_347 = %scan3A to %scan3A_51 step %scan3A_52 iter_args(%scan3A_348 = %broadcast_in_dim3A_11) -> (vector<16xf32>)  : i32 {
      %mul3A_349 = arith.constant 16 : i32
      %mul3A_350 = arith.muli %mul3A_349, %scan3A_347 : i32
      %get3A_351 = arith.index_cast %mul3A_350 : i32 to index
      %get3A_352 = tpu.vector_load %arg8[%get3A_351] {strides = array<i32>} : memref<8732xi32, #tpu.memory_space<vmem>>, vector<16xi32>,
      %get3A_353 = vector.shape_cast %get3A_352 : vector<16xi32> to vector<16xi32>
      %mul3A_354 = arith.constant 64 : i32
      %mul3A_355 = arith.muli %mul3A_354, %scan3A_347 : i32
      %add3A_356 = arith.constant 0 : i32
      %add3A_357 = arith.addi %mul3A_355, %add3A_356 : i32
      %slice3A_358 = vector.extract_strided_slice %get3A_353 {offsets = [0], sizes = [1], strides = [1]} : vector<16xi32> to vector<1xi32>
      %squeeze3A_359 = vector.extract %slice3A_358[0] : i32 from vector<1xi32>
      %slice3A_360 = vector.extract_strided_slice %get3A_353 {offsets = [1], sizes = [1], strides = [1]} : vector<16xi32> to vector<1xi32>
      %squeeze3A_361 = vector.extract %slice3A_360[0] : i32 from vector<1xi32>
      %slice3A_362 = vector.extract_strided_slice %get3A_353 {offsets = [2], sizes = [1], strides = [1]} : vector<16xi32> to vector<1xi32>
      %squeeze3A_363 = vector.extract %slice3A_362[0] : i32 from vector<1xi32>
      %slice3A_364 = vector.extract_strided_slice %get3A_353 {offsets = [3], sizes = [1], strides = [1]} : vector<16xi32> to vector<1xi32>
      %squeeze3A_365 = vector.extract %slice3A_364[0] : i32 from vector<1xi32>
      %broadcast_in_dim3A_366 = vector.broadcast %squeeze3A_363 : i32 to vector<16xi32>
      %broadcast_in_dim3A_367 = vector.broadcast %squeeze3A_365 : i32 to vector<16xi32>
      %select_n3A_368 = arith.select %eq3A_10, %broadcast_in_dim3A_366, %broadcast_in_dim3A_367 : vector<16xi1>, vector<16xi32>
      %broadcast_in_dim3A_369 = vector.broadcast %squeeze3A_361 : i32 to vector<16xi32>
      %select_n3A_370 = arith.select %eq3A_7, %broadcast_in_dim3A_369, %select_n3A_368 : vector<16xi1>, vector<16xi32>
      %broadcast_in_dim3A_371 = vector.broadcast %squeeze3A_359 : i32 to vector<16xi32>
      %select_n3A_372 = arith.select %eq3A_4, %broadcast_in_dim3A_371, %select_n3A_370 : vector<16xi1>, vector<16xi32>
      %gt3A_373 = arith.constant 0 : i32
      %gt3A_374 = vector.broadcast %gt3A_373 : i32 to vector<16xi32>
      %gt3A_375 = arith.cmpi sgt, %select_n3A_372, %gt3A_374 : vector<16xi32>
      %get3A_376 = arith.index_cast %add3A_357 : i32 to index
      %get3A_377 = tpu.vector_load %arg6[%get3A_376] {strides = array<i32>} : memref<34928xf32, #tpu.memory_space<vmem>>, vector<16xf32>,
      %get3A_378 = vector.shape_cast %get3A_377 : vector<16xf32> to vector<16xf32>
      %get3A_379 = arith.index_cast %add3A_357 : i32 to index
      %get3A_380 = tpu.vector_load %arg7[%get3A_379] {strides = array<i32>} : memref<34928xf32, #tpu.memory_space<vmem>>, vector<16xf32>,
      %get3A_381 = vector.shape_cast %get3A_380 : vector<16xf32> to vector<16xf32>
      %sub3A_382 = arith.subf %get3A_378, %get3A_381 : vector<16xf32>
      %jit3A_383 = arith.constant 0.000000e+00 : f32
      %broadcast_in_dim3A_384 = vector.broadcast %jit3A_383 : f32 to vector<16xf32>
      %select_n3A_385 = arith.select %gt3A_375, %sub3A_382, %broadcast_in_dim3A_384 : vector<16xi1>, vector<16xf32>
      %abs3A_386 = math.absf %select_n3A_385 : vector<16xf32>
      %lt3A_387 = arith.constant 1.000000e+00 : f32
      %lt3A_388 = vector.broadcast %lt3A_387 : f32 to vector<16xf32>
      %lt3A_389 = arith.cmpf olt, %abs3A_386, %lt3A_388 : vector<16xf32>
      %mul3A_390 = arith.constant 5.000000e-01 : f32
      %mul3A_391 = vector.broadcast %mul3A_390 : f32 to vector<16xf32>
      %mul3A_392 = arith.mulf %mul3A_391, %select_n3A_385 : vector<16xf32>
      %mul3A_393 = arith.mulf %mul3A_392, %select_n3A_385 : vector<16xf32>
      %sub3A_394 = arith.constant 5.000000e-01 : f32
      %sub3A_395 = vector.broadcast %sub3A_394 : f32 to vector<16xf32>
      %sub3A_396 = arith.subf %abs3A_386, %sub3A_395 : vector<16xf32>
      %select_n3A_397 = arith.select %lt3A_389, %mul3A_393, %sub3A_396 : vector<16xi1>, vector<16xf32>
      %add3A_398 = arith.addf %scan3A_348, %select_n3A_397 : vector<16xf32>
      %mul3A_399 = arith.constant 64 : i32
      %mul3A_400 = arith.muli %mul3A_399, %scan3A_347 : i32
      %add3A_401 = arith.constant 16 : i32
      %add3A_402 = arith.addi %mul3A_400, %add3A_401 : i32
      %slice3A_403 = vector.extract_strided_slice %get3A_353 {offsets = [4], sizes = [1], strides = [1]} : vector<16xi32> to vector<1xi32>
      %squeeze3A_404 = vector.extract %slice3A_403[0] : i32 from vector<1xi32>
      %slice3A_405 = vector.extract_strided_slice %get3A_353 {offsets = [5], sizes = [1], strides = [1]} : vector<16xi32> to vector<1xi32>
      %squeeze3A_406 = vector.extract %slice3A_405[0] : i32 from vector<1xi32>
      %slice3A_407 = vector.extract_strided_slice %get3A_353 {offsets = [6], sizes = [1], strides = [1]} : vector<16xi32> to vector<1xi32>
      %squeeze3A_408 = vector.extract %slice3A_407[0] : i32 from vector<1xi32>
      %slice3A_409 = vector.extract_strided_slice %get3A_353 {offsets = [7], sizes = [1], strides = [1]} : vector<16xi32> to vector<1xi32>
      %squeeze3A_410 = vector.extract %slice3A_409[0] : i32 from vector<1xi32>
      %broadcast_in_dim3A_411 = vector.broadcast %squeeze3A_408 : i32 to vector<16xi32>
      %broadcast_in_dim3A_412 = vector.broadcast %squeeze3A_410 : i32 to vector<16xi32>
      %select_n3A_413 = arith.select %eq3A_10, %broadcast_in_dim3A_411, %broadcast_in_dim3A_412 : vector<16xi1>, vector<16xi32>
      %broadcast_in_dim3A_414 = vector.broadcast %squeeze3A_406 : i32 to vector<16xi32>
      %select_n3A_415 = arith.select %eq3A_7, %broadcast_in_dim3A_414, %select_n3A_413 : vector<16xi1>, vector<16xi32>
      %broadcast_in_dim3A_416 = vector.broadcast %squeeze3A_404 : i32 to vector<16xi32>
      %select_n3A_417 = arith.select %eq3A_4, %broadcast_in_dim3A_416, %select_n3A_415 : vector<16xi1>, vector<16xi32>
      %gt3A_418 = arith.constant 0 : i32
      %gt3A_419 = vector.broadcast %gt3A_418 : i32 to vector<16xi32>
      %gt3A_420 = arith.cmpi sgt, %select_n3A_417, %gt3A_419 : vector<16xi32>
      %get3A_421 = arith.index_cast %add3A_402 : i32 to index
      %get3A_422 = tpu.vector_load %arg6[%get3A_421] {strides = array<i32>} : memref<34928xf32, #tpu.memory_space<vmem>>, vector<16xf32>,
      %get3A_423 = vector.shape_cast %get3A_422 : vector<16xf32> to vector<16xf32>
      %get3A_424 = arith.index_cast %add3A_402 : i32 to index
      %get3A_425 = tpu.vector_load %arg7[%get3A_424] {strides = array<i32>} : memref<34928xf32, #tpu.memory_space<vmem>>, vector<16xf32>,
      %get3A_426 = vector.shape_cast %get3A_425 : vector<16xf32> to vector<16xf32>
      %sub3A_427 = arith.subf %get3A_423, %get3A_426 : vector<16xf32>
      %jit3A_428 = arith.constant 0.000000e+00 : f32
      %broadcast_in_dim3A_429 = vector.broadcast %jit3A_428 : f32 to vector<16xf32>
      %select_n3A_430 = arith.select %gt3A_420, %sub3A_427, %broadcast_in_dim3A_429 : vector<16xi1>, vector<16xf32>
      %abs3A_431 = math.absf %select_n3A_430 : vector<16xf32>
      %lt3A_432 = arith.constant 1.000000e+00 : f32
      %lt3A_433 = vector.broadcast %lt3A_432 : f32 to vector<16xf32>
      %lt3A_434 = arith.cmpf olt, %abs3A_431, %lt3A_433 : vector<16xf32>
      %mul3A_435 = arith.constant 5.000000e-01 : f32
      %mul3A_436 = vector.broadcast %mul3A_435 : f32 to vector<16xf32>
      %mul3A_437 = arith.mulf %mul3A_436, %select_n3A_430 : vector<16xf32>
      %mul3A_438 = arith.mulf %mul3A_437, %select_n3A_430 : vector<16xf32>
      %sub3A_439 = arith.constant 5.000000e-01 : f32
      %sub3A_440 = vector.broadcast %sub3A_439 : f32 to vector<16xf32>
      %sub3A_441 = arith.subf %abs3A_431, %sub3A_440 : vector<16xf32>
      %select_n3A_442 = arith.select %lt3A_434, %mul3A_438, %sub3A_441 : vector<16xi1>, vector<16xf32>
      %add3A_443 = arith.addf %add3A_398, %select_n3A_442 : vector<16xf32>
      %mul3A_444 = arith.constant 64 : i32
      %mul3A_445 = arith.muli %mul3A_444, %scan3A_347 : i32
      %add3A_446 = arith.constant 32 : i32
      %add3A_447 = arith.addi %mul3A_445, %add3A_446 : i32
      %slice3A_448 = vector.extract_strided_slice %get3A_353 {offsets = [8], sizes = [1], strides = [1]} : vector<16xi32> to vector<1xi32>
      %squeeze3A_449 = vector.extract %slice3A_448[0] : i32 from vector<1xi32>
      %slice3A_450 = vector.extract_strided_slice %get3A_353 {offsets = [9], sizes = [1], strides = [1]} : vector<16xi32> to vector<1xi32>
      %squeeze3A_451 = vector.extract %slice3A_450[0] : i32 from vector<1xi32>
      %slice3A_452 = vector.extract_strided_slice %get3A_353 {offsets = [10], sizes = [1], strides = [1]} : vector<16xi32> to vector<1xi32>
      %squeeze3A_453 = vector.extract %slice3A_452[0] : i32 from vector<1xi32>
      %slice3A_454 = vector.extract_strided_slice %get3A_353 {offsets = [11], sizes = [1], strides = [1]} : vector<16xi32> to vector<1xi32>
      %squeeze3A_455 = vector.extract %slice3A_454[0] : i32 from vector<1xi32>
      %broadcast_in_dim3A_456 = vector.broadcast %squeeze3A_453 : i32 to vector<16xi32>
      %broadcast_in_dim3A_457 = vector.broadcast %squeeze3A_455 : i32 to vector<16xi32>
      %select_n3A_458 = arith.select %eq3A_10, %broadcast_in_dim3A_456, %broadcast_in_dim3A_457 : vector<16xi1>, vector<16xi32>
      %broadcast_in_dim3A_459 = vector.broadcast %squeeze3A_451 : i32 to vector<16xi32>
      %select_n3A_460 = arith.select %eq3A_7, %broadcast_in_dim3A_459, %select_n3A_458 : vector<16xi1>, vector<16xi32>
      %broadcast_in_dim3A_461 = vector.broadcast %squeeze3A_449 : i32 to vector<16xi32>
      %select_n3A_462 = arith.select %eq3A_4, %broadcast_in_dim3A_461, %select_n3A_460 : vector<16xi1>, vector<16xi32>
      %gt3A_463 = arith.constant 0 : i32
      %gt3A_464 = vector.broadcast %gt3A_463 : i32 to vector<16xi32>
      %gt3A_465 = arith.cmpi sgt, %select_n3A_462, %gt3A_464 : vector<16xi32>
      %get3A_466 = arith.index_cast %add3A_447 : i32 to index
      %get3A_467 = tpu.vector_load %arg6[%get3A_466] {strides = array<i32>} : memref<34928xf32, #tpu.memory_space<vmem>>, vector<16xf32>,
      %get3A_468 = vector.shape_cast %get3A_467 : vector<16xf32> to vector<16xf32>
      %get3A_469 = arith.index_cast %add3A_447 : i32 to index
      %get3A_470 = tpu.vector_load %arg7[%get3A_469] {strides = array<i32>} : memref<34928xf32, #tpu.memory_space<vmem>>, vector<16xf32>,
      %get3A_471 = vector.shape_cast %get3A_470 : vector<16xf32> to vector<16xf32>
      %sub3A_472 = arith.subf %get3A_468, %get3A_471 : vector<16xf32>
      %jit3A_473 = arith.constant 0.000000e+00 : f32
      %broadcast_in_dim3A_474 = vector.broadcast %jit3A_473 : f32 to vector<16xf32>
      %select_n3A_475 = arith.select %gt3A_465, %sub3A_472, %broadcast_in_dim3A_474 : vector<16xi1>, vector<16xf32>
      %abs3A_476 = math.absf %select_n3A_475 : vector<16xf32>
      %lt3A_477 = arith.constant 1.000000e+00 : f32
      %lt3A_478 = vector.broadcast %lt3A_477 : f32 to vector<16xf32>
      %lt3A_479 = arith.cmpf olt, %abs3A_476, %lt3A_478 : vector<16xf32>
      %mul3A_480 = arith.constant 5.000000e-01 : f32
      %mul3A_481 = vector.broadcast %mul3A_480 : f32 to vector<16xf32>
      %mul3A_482 = arith.mulf %mul3A_481, %select_n3A_475 : vector<16xf32>
      %mul3A_483 = arith.mulf %mul3A_482, %select_n3A_475 : vector<16xf32>
      %sub3A_484 = arith.constant 5.000000e-01 : f32
      %sub3A_485 = vector.broadcast %sub3A_484 : f32 to vector<16xf32>
      %sub3A_486 = arith.subf %abs3A_476, %sub3A_485 : vector<16xf32>
      %select_n3A_487 = arith.select %lt3A_479, %mul3A_483, %sub3A_486 : vector<16xi1>, vector<16xf32>
      %add3A_488 = arith.addf %add3A_443, %select_n3A_487 : vector<16xf32>
      %mul3A_489 = arith.constant 64 : i32
      %mul3A_490 = arith.muli %mul3A_489, %scan3A_347 : i32
      %add3A_491 = arith.constant 48 : i32
      %add3A_492 = arith.addi %mul3A_490, %add3A_491 : i32
      %slice3A_493 = vector.extract_strided_slice %get3A_353 {offsets = [12], sizes = [1], strides = [1]} : vector<16xi32> to vector<1xi32>
      %squeeze3A_494 = vector.extract %slice3A_493[0] : i32 from vector<1xi32>
      %slice3A_495 = vector.extract_strided_slice %get3A_353 {offsets = [13], sizes = [1], strides = [1]} : vector<16xi32> to vector<1xi32>
      %squeeze3A_496 = vector.extract %slice3A_495[0] : i32 from vector<1xi32>
      %slice3A_497 = vector.extract_strided_slice %get3A_353 {offsets = [14], sizes = [1], strides = [1]} : vector<16xi32> to vector<1xi32>
      %squeeze3A_498 = vector.extract %slice3A_497[0] : i32 from vector<1xi32>
      %slice3A_499 = vector.extract_strided_slice %get3A_353 {offsets = [15], sizes = [1], strides = [1]} : vector<16xi32> to vector<1xi32>
      %squeeze3A_500 = vector.extract %slice3A_499[0] : i32 from vector<1xi32>
      %broadcast_in_dim3A_501 = vector.broadcast %squeeze3A_498 : i32 to vector<16xi32>
      %broadcast_in_dim3A_502 = vector.broadcast %squeeze3A_500 : i32 to vector<16xi32>
      %select_n3A_503 = arith.select %eq3A_10, %broadcast_in_dim3A_501, %broadcast_in_dim3A_502 : vector<16xi1>, vector<16xi32>
      %broadcast_in_dim3A_504 = vector.broadcast %squeeze3A_496 : i32 to vector<16xi32>
      %select_n3A_505 = arith.select %eq3A_7, %broadcast_in_dim3A_504, %select_n3A_503 : vector<16xi1>, vector<16xi32>
      %broadcast_in_dim3A_506 = vector.broadcast %squeeze3A_494 : i32 to vector<16xi32>
      %select_n3A_507 = arith.select %eq3A_4, %broadcast_in_dim3A_506, %select_n3A_505 : vector<16xi1>, vector<16xi32>
      %gt3A_508 = arith.constant 0 : i32
      %gt3A_509 = vector.broadcast %gt3A_508 : i32 to vector<16xi32>
      %gt3A_510 = arith.cmpi sgt, %select_n3A_507, %gt3A_509 : vector<16xi32>
      %get3A_511 = arith.index_cast %add3A_492 : i32 to index
      %get3A_512 = tpu.vector_load %arg6[%get3A_511] {strides = array<i32>} : memref<34928xf32, #tpu.memory_space<vmem>>, vector<16xf32>,
      %get3A_513 = vector.shape_cast %get3A_512 : vector<16xf32> to vector<16xf32>
      %get3A_514 = arith.index_cast %add3A_492 : i32 to index
      %get3A_515 = tpu.vector_load %arg7[%get3A_514] {strides = array<i32>} : memref<34928xf32, #tpu.memory_space<vmem>>, vector<16xf32>,
      %get3A_516 = vector.shape_cast %get3A_515 : vector<16xf32> to vector<16xf32>
      %sub3A_517 = arith.subf %get3A_513, %get3A_516 : vector<16xf32>
      %jit3A_518 = arith.constant 0.000000e+00 : f32
      %broadcast_in_dim3A_519 = vector.broadcast %jit3A_518 : f32 to vector<16xf32>
      %select_n3A_520 = arith.select %gt3A_510, %sub3A_517, %broadcast_in_dim3A_519 : vector<16xi1>, vector<16xf32>
      %abs3A_521 = math.absf %select_n3A_520 : vector<16xf32>
      %lt3A_522 = arith.constant 1.000000e+00 : f32
      %lt3A_523 = vector.broadcast %lt3A_522 : f32 to vector<16xf32>
      %lt3A_524 = arith.cmpf olt, %abs3A_521, %lt3A_523 : vector<16xf32>
      %mul3A_525 = arith.constant 5.000000e-01 : f32
      %mul3A_526 = vector.broadcast %mul3A_525 : f32 to vector<16xf32>
      %mul3A_527 = arith.mulf %mul3A_526, %select_n3A_520 : vector<16xf32>
      %mul3A_528 = arith.mulf %mul3A_527, %select_n3A_520 : vector<16xf32>
      %sub3A_529 = arith.constant 5.000000e-01 : f32
      %sub3A_530 = vector.broadcast %sub3A_529 : f32 to vector<16xf32>
      %sub3A_531 = arith.subf %abs3A_521, %sub3A_530 : vector<16xf32>
      %select_n3A_532 = arith.select %lt3A_524, %mul3A_528, %sub3A_531 : vector<16xi1>, vector<16xf32>
      %add3A_533 = arith.addf %add3A_488, %select_n3A_532 : vector<16xf32>
      scf.yield %add3A_533 : vector<16xf32>
    }
    %scan3A_54 = arith.constant 545 : i32
    %get3A = arith.constant 8716 : index
    %get3A_55 = tpu.vector_load %arg8[%get3A] {strides = array<i32>} : memref<8732xi32, #tpu.memory_space<vmem>>, vector<16xi32>,
    %get3A_56 = vector.shape_cast %get3A_55 : vector<16xi32> to vector<16xi32>
    %slice3A = vector.extract_strided_slice %get3A_56 {offsets = [4], sizes = [1], strides = [1]} : vector<16xi32> to vector<1xi32>
    %squeeze3A = vector.extract %slice3A[0] : i32 from vector<1xi32>
    %slice3A_57 = vector.extract_strided_slice %get3A_56 {offsets = [5], sizes = [1], strides = [1]} : vector<16xi32> to vector<1xi32>
    %squeeze3A_58 = vector.extract %slice3A_57[0] : i32 from vector<1xi32>
    %slice3A_59 = vector.extract_strided_slice %get3A_56 {offsets = [6], sizes = [1], strides = [1]} : vector<16xi32> to vector<1xi32>
    %squeeze3A_60 = vector.extract %slice3A_59[0] : i32 from vector<1xi32>
    %slice3A_61 = vector.extract_strided_slice %get3A_56 {offsets = [7], sizes = [1], strides = [1]} : vector<16xi32> to vector<1xi32>
    %squeeze3A_62 = vector.extract %slice3A_61[0] : i32 from vector<1xi32>
    %broadcast_in_dim3A_63 = vector.broadcast %squeeze3A_60 : i32 to vector<16xi32>
    %broadcast_in_dim3A_64 = vector.broadcast %squeeze3A_62 : i32 to vector<16xi32>
    %select_n3A = arith.select %eq3A_10, %broadcast_in_dim3A_63, %broadcast_in_dim3A_64 : vector<16xi1>, vector<16xi32>
    %broadcast_in_dim3A_65 = vector.broadcast %squeeze3A_58 : i32 to vector<16xi32>
    %select_n3A_66 = arith.select %eq3A_7, %broadcast_in_dim3A_65, %select_n3A : vector<16xi1>, vector<16xi32>
    %broadcast_in_dim3A_67 = vector.broadcast %squeeze3A : i32 to vector<16xi32>
    %select_n3A_68 = arith.select %eq3A_4, %broadcast_in_dim3A_67, %select_n3A_66 : vector<16xi1>, vector<16xi32>
    %gt3A = arith.constant 0 : i32
    %gt3A_69 = vector.broadcast %gt3A : i32 to vector<16xi32>
    %gt3A_70 = arith.cmpi sgt, %select_n3A_68, %gt3A_69 : vector<16xi32>
    %get3A_71 = arith.constant 34880 : index
    %get3A_72 = tpu.vector_load %arg6[%get3A_71] {strides = array<i32>} : memref<34928xf32, #tpu.memory_space<vmem>>, vector<16xf32>,
    %get3A_73 = vector.shape_cast %get3A_72 : vector<16xf32> to vector<16xf32>
    %get3A_74 = arith.constant 34880 : index
    %get3A_75 = tpu.vector_load %arg7[%get3A_74] {strides = array<i32>} : memref<34928xf32, #tpu.memory_space<vmem>>, vector<16xf32>,
    %get3A_76 = vector.shape_cast %get3A_75 : vector<16xf32> to vector<16xf32>
    %sub3A = arith.subf %get3A_73, %get3A_76 : vector<16xf32>
    %jit3A = arith.constant 0.000000e+00 : f32
    %broadcast_in_dim3A_77 = vector.broadcast %jit3A : f32 to vector<16xf32>
    %select_n3A_78 = arith.select %gt3A_70, %sub3A, %broadcast_in_dim3A_77 : vector<16xi1>, vector<16xf32>
    %abs3A = math.absf %select_n3A_78 : vector<16xf32>
    %lt3A = arith.constant 1.000000e+00 : f32
    %lt3A_79 = vector.broadcast %lt3A : f32 to vector<16xf32>
    %lt3A_80 = arith.cmpf olt, %abs3A, %lt3A_79 : vector<16xf32>
    %mul3A_81 = arith.constant 5.000000e-01 : f32
    %mul3A_82 = vector.broadcast %mul3A_81 : f32 to vector<16xf32>
    %mul3A_83 = arith.mulf %mul3A_82, %select_n3A_78 : vector<16xf32>
    %mul3A_84 = arith.mulf %mul3A_83, %select_n3A_78 : vector<16xf32>
    %sub3A_85 = arith.constant 5.000000e-01 : f32
    %sub3A_86 = vector.broadcast %sub3A_85 : f32 to vector<16xf32>
    %sub3A_87 = arith.subf %abs3A, %sub3A_86 : vector<16xf32>
    %select_n3A_88 = arith.select %lt3A_80, %mul3A_84, %sub3A_87 : vector<16xi1>, vector<16xf32>
    %add3A_89 = arith.addf %scan3A_53, %select_n3A_88 : vector<16xf32>
    %slice3A_90 = vector.extract_strided_slice %get3A_56 {offsets = [8], sizes = [1], strides = [1]} : vector<16xi32> to vector<1xi32>
    %squeeze3A_91 = vector.extract %slice3A_90[0] : i32 from vector<1xi32>
    %slice3A_92 = vector.extract_strided_slice %get3A_56 {offsets = [9], sizes = [1], strides = [1]} : vector<16xi32> to vector<1xi32>
    %squeeze3A_93 = vector.extract %slice3A_92[0] : i32 from vector<1xi32>
    %slice3A_94 = vector.extract_strided_slice %get3A_56 {offsets = [10], sizes = [1], strides = [1]} : vector<16xi32> to vector<1xi32>
    %squeeze3A_95 = vector.extract %slice3A_94[0] : i32 from vector<1xi32>
    %slice3A_96 = vector.extract_strided_slice %get3A_56 {offsets = [11], sizes = [1], strides = [1]} : vector<16xi32> to vector<1xi32>
    %squeeze3A_97 = vector.extract %slice3A_96[0] : i32 from vector<1xi32>
    %broadcast_in_dim3A_98 = vector.broadcast %squeeze3A_95 : i32 to vector<16xi32>
    %broadcast_in_dim3A_99 = vector.broadcast %squeeze3A_97 : i32 to vector<16xi32>
    %select_n3A_100 = arith.select %eq3A_10, %broadcast_in_dim3A_98, %broadcast_in_dim3A_99 : vector<16xi1>, vector<16xi32>
    %broadcast_in_dim3A_101 = vector.broadcast %squeeze3A_93 : i32 to vector<16xi32>
    %select_n3A_102 = arith.select %eq3A_7, %broadcast_in_dim3A_101, %select_n3A_100 : vector<16xi1>, vector<16xi32>
    %broadcast_in_dim3A_103 = vector.broadcast %squeeze3A_91 : i32 to vector<16xi32>
    %select_n3A_104 = arith.select %eq3A_4, %broadcast_in_dim3A_103, %select_n3A_102 : vector<16xi1>, vector<16xi32>
    %gt3A_105 = arith.constant 0 : i32
    %gt3A_106 = vector.broadcast %gt3A_105 : i32 to vector<16xi32>
    %gt3A_107 = arith.cmpi sgt, %select_n3A_104, %gt3A_106 : vector<16xi32>
    %get3A_108 = arith.constant 34896 : index
    %get3A_109 = tpu.vector_load %arg6[%get3A_108] {strides = array<i32>} : memref<34928xf32, #tpu.memory_space<vmem>>, vector<16xf32>,
    %get3A_110 = vector.shape_cast %get3A_109 : vector<16xf32> to vector<16xf32>
    %get3A_111 = arith.constant 34896 : index
    %get3A_112 = tpu.vector_load %arg7[%get3A_111] {strides = array<i32>} : memref<34928xf32, #tpu.memory_space<vmem>>, vector<16xf32>,
    %get3A_113 = vector.shape_cast %get3A_112 : vector<16xf32> to vector<16xf32>
    %sub3A_114 = arith.subf %get3A_110, %get3A_113 : vector<16xf32>
    %jit3A_115 = arith.constant 0.000000e+00 : f32
    %broadcast_in_dim3A_116 = vector.broadcast %jit3A_115 : f32 to vector<16xf32>
    %select_n3A_117 = arith.select %gt3A_107, %sub3A_114, %broadcast_in_dim3A_116 : vector<16xi1>, vector<16xf32>
    %abs3A_118 = math.absf %select_n3A_117 : vector<16xf32>
    %lt3A_119 = arith.constant 1.000000e+00 : f32
    %lt3A_120 = vector.broadcast %lt3A_119 : f32 to vector<16xf32>
    %lt3A_121 = arith.cmpf olt, %abs3A_118, %lt3A_120 : vector<16xf32>
    %mul3A_122 = arith.constant 5.000000e-01 : f32
    %mul3A_123 = vector.broadcast %mul3A_122 : f32 to vector<16xf32>
    %mul3A_124 = arith.mulf %mul3A_123, %select_n3A_117 : vector<16xf32>
    %mul3A_125 = arith.mulf %mul3A_124, %select_n3A_117 : vector<16xf32>
    %sub3A_126 = arith.constant 5.000000e-01 : f32
    %sub3A_127 = vector.broadcast %sub3A_126 : f32 to vector<16xf32>
    %sub3A_128 = arith.subf %abs3A_118, %sub3A_127 : vector<16xf32>
    %select_n3A_129 = arith.select %lt3A_121, %mul3A_125, %sub3A_128 : vector<16xi1>, vector<16xf32>
    %add3A_130 = arith.addf %add3A_89, %select_n3A_129 : vector<16xf32>
    %slice3A_131 = vector.extract_strided_slice %get3A_56 {offsets = [12], sizes = [1], strides = [1]} : vector<16xi32> to vector<1xi32>
    %squeeze3A_132 = vector.extract %slice3A_131[0] : i32 from vector<1xi32>
    %slice3A_133 = vector.extract_strided_slice %get3A_56 {offsets = [13], sizes = [1], strides = [1]} : vector<16xi32> to vector<1xi32>
    %squeeze3A_134 = vector.extract %slice3A_133[0] : i32 from vector<1xi32>
    %slice3A_135 = vector.extract_strided_slice %get3A_56 {offsets = [14], sizes = [1], strides = [1]} : vector<16xi32> to vector<1xi32>
    %squeeze3A_136 = vector.extract %slice3A_135[0] : i32 from vector<1xi32>
    %slice3A_137 = vector.extract_strided_slice %get3A_56 {offsets = [15], sizes = [1], strides = [1]} : vector<16xi32> to vector<1xi32>
    %squeeze3A_138 = vector.extract %slice3A_137[0] : i32 from vector<1xi32>
    %broadcast_in_dim3A_139 = vector.broadcast %squeeze3A_136 : i32 to vector<16xi32>
    %broadcast_in_dim3A_140 = vector.broadcast %squeeze3A_138 : i32 to vector<16xi32>
    %select_n3A_141 = arith.select %eq3A_10, %broadcast_in_dim3A_139, %broadcast_in_dim3A_140 : vector<16xi1>, vector<16xi32>
    %broadcast_in_dim3A_142 = vector.broadcast %squeeze3A_134 : i32 to vector<16xi32>
    %select_n3A_143 = arith.select %eq3A_7, %broadcast_in_dim3A_142, %select_n3A_141 : vector<16xi1>, vector<16xi32>
    %broadcast_in_dim3A_144 = vector.broadcast %squeeze3A_132 : i32 to vector<16xi32>
    %select_n3A_145 = arith.select %eq3A_4, %broadcast_in_dim3A_144, %select_n3A_143 : vector<16xi1>, vector<16xi32>
    %gt3A_146 = arith.constant 0 : i32
    %gt3A_147 = vector.broadcast %gt3A_146 : i32 to vector<16xi32>
    %gt3A_148 = arith.cmpi sgt, %select_n3A_145, %gt3A_147 : vector<16xi32>
    %get3A_149 = arith.constant 34912 : index
    %get3A_150 = tpu.vector_load %arg6[%get3A_149] {strides = array<i32>} : memref<34928xf32, #tpu.memory_space<vmem>>, vector<16xf32>,
    %get3A_151 = vector.shape_cast %get3A_150 : vector<16xf32> to vector<16xf32>
    %get3A_152 = arith.constant 34912 : index
    %get3A_153 = tpu.vector_load %arg7[%get3A_152] {strides = array<i32>} : memref<34928xf32, #tpu.memory_space<vmem>>, vector<16xf32>,
    %get3A_154 = vector.shape_cast %get3A_153 : vector<16xf32> to vector<16xf32>
    %sub3A_155 = arith.subf %get3A_151, %get3A_154 : vector<16xf32>
    %jit3A_156 = arith.constant 0.000000e+00 : f32
    %broadcast_in_dim3A_157 = vector.broadcast %jit3A_156 : f32 to vector<16xf32>
    %select_n3A_158 = arith.select %gt3A_148, %sub3A_155, %broadcast_in_dim3A_157 : vector<16xi1>, vector<16xf32>
    %abs3A_159 = math.absf %select_n3A_158 : vector<16xf32>
    %lt3A_160 = arith.constant 1.000000e+00 : f32
    %lt3A_161 = vector.broadcast %lt3A_160 : f32 to vector<16xf32>
    %lt3A_162 = arith.cmpf olt, %abs3A_159, %lt3A_161 : vector<16xf32>
    %mul3A_163 = arith.constant 5.000000e-01 : f32
    %mul3A_164 = vector.broadcast %mul3A_163 : f32 to vector<16xf32>
    %mul3A_165 = arith.mulf %mul3A_164, %select_n3A_158 : vector<16xf32>
    %mul3A_166 = arith.mulf %mul3A_165, %select_n3A_158 : vector<16xf32>
    %sub3A_167 = arith.constant 5.000000e-01 : f32
    %sub3A_168 = vector.broadcast %sub3A_167 : f32 to vector<16xf32>
    %sub3A_169 = arith.subf %abs3A_159, %sub3A_168 : vector<16xf32>
    %select_n3A_170 = arith.select %lt3A_162, %mul3A_166, %sub3A_169 : vector<16xi1>, vector<16xf32>
    %add3A_171 = arith.addf %add3A_130, %select_n3A_170 : vector<16xf32>
    %mul3A_172 = arith.constant 2 : i32
    %mul3A_173 = arith.muli %mul3A_172, %add3A : i32
    %add3A_174 = arith.constant 1 : i32
    %add3A_175 = arith.addi %mul3A_173, %add3A_174 : i32
    %dma_start3A_176 = arith.constant 0 : i32
    %dma_start3A_177 = tpu.memref_slice %arg2[%add3A_175, %dma_start3A_176] : memref<64x34928xf32, #tpu.memory_space<hbm>> -> memref<1x34928xf32, #tpu.memory_space<hbm>>
    %dma_start3A_178 = tpu.memref_squeeze %dma_start3A_177 : memref<1x34928xf32, #tpu.memory_space<hbm>> -> memref<34928xf32, #tpu.memory_space<hbm>>
    %dma_start3A_179 = arith.constant 0 : i32
    %dma_start3A_180 = tpu.memref_slice %arg2[%add3A_175, %dma_start3A_179] : memref<64x34928xf32, #tpu.memory_space<hbm>> -> memref<1x34928xf32, #tpu.memory_space<hbm>>
    %dma_start3A_181 = tpu.memref_squeeze %dma_start3A_180 : memref<1x34928xf32, #tpu.memory_space<hbm>> -> memref<34928xf32, #tpu.memory_space<hbm>>
    tpu.enqueue_dma source(%dma_start3A_181 : memref<34928xf32, #tpu.memory_space<hbm>>) target(%arg6 : memref<34928xf32, #tpu.memory_space<vmem>>) target_semaphore(%arg10 : memref<!tpu.dma_semaphore, #tpu.memory_space<semaphore_mem>>)
    %dma_start3A_182 = arith.constant 0 : i32
    %dma_start3A_183 = tpu.memref_slice %arg3[%add3A_175, %dma_start3A_182] : memref<64x34928xf32, #tpu.memory_space<hbm>> -> memref<1x34928xf32, #tpu.memory_space<hbm>>
    %dma_start3A_184 = tpu.memref_squeeze %dma_start3A_183 : memref<1x34928xf32, #tpu.memory_space<hbm>> -> memref<34928xf32, #tpu.memory_space<hbm>>
    %dma_start3A_185 = arith.constant 0 : i32
    %dma_start3A_186 = tpu.memref_slice %arg3[%add3A_175, %dma_start3A_185] : memref<64x34928xf32, #tpu.memory_space<hbm>> -> memref<1x34928xf32, #tpu.memory_space<hbm>>
    %dma_start3A_187 = tpu.memref_squeeze %dma_start3A_186 : memref<1x34928xf32, #tpu.memory_space<hbm>> -> memref<34928xf32, #tpu.memory_space<hbm>>
    tpu.enqueue_dma source(%dma_start3A_187 : memref<34928xf32, #tpu.memory_space<hbm>>) target(%arg7 : memref<34928xf32, #tpu.memory_space<vmem>>) target_semaphore(%arg10 : memref<!tpu.dma_semaphore, #tpu.memory_space<semaphore_mem>>)
    %dma_start3A_188 = arith.constant 0 : i32
    %dma_start3A_189 = tpu.memref_slice %arg4[%add3A_175, %dma_start3A_188] : memref<64x8732xi32, #tpu.memory_space<hbm>> -> memref<1x8732xi32, #tpu.memory_space<hbm>>
    %dma_start3A_190 = tpu.memref_squeeze %dma_start3A_189 : memref<1x8732xi32, #tpu.memory_space<hbm>> -> memref<8732xi32, #tpu.memory_space<hbm>>
    %dma_start3A_191 = arith.constant 0 : i32
    %dma_start3A_192 = tpu.memref_slice %arg4[%add3A_175, %dma_start3A_191] : memref<64x8732xi32, #tpu.memory_space<hbm>> -> memref<1x8732xi32, #tpu.memory_space<hbm>>
    %dma_start3A_193 = tpu.memref_squeeze %dma_start3A_192 : memref<1x8732xi32, #tpu.memory_space<hbm>> -> memref<8732xi32, #tpu.memory_space<hbm>>
    tpu.enqueue_dma source(%dma_start3A_193 : memref<8732xi32, #tpu.memory_space<hbm>>) target(%arg8 : memref<8732xi32, #tpu.memory_space<vmem>>) target_semaphore(%arg10 : memref<!tpu.dma_semaphore, #tpu.memory_space<semaphore_mem>>)
    %dma_wait3A_194 = arith.constant 0 : i32
    %dma_wait3A_195 = tpu.memref_slice %arg2[%add3A_175, %dma_wait3A_194] : memref<64x34928xf32, #tpu.memory_space<hbm>> -> memref<1x34928xf32, #tpu.memory_space<hbm>>
    %dma_wait3A_196 = tpu.memref_squeeze %dma_wait3A_195 : memref<1x34928xf32, #tpu.memory_space<hbm>> -> memref<34928xf32, #tpu.memory_space<hbm>>
    %dma_wait3A_197 = arith.constant 0 : i32
    %dma_wait3A_198 = tpu.memref_slice %arg2[%add3A_175, %dma_wait3A_197] : memref<64x34928xf32, #tpu.memory_space<hbm>> -> memref<1x34928xf32, #tpu.memory_space<hbm>>
    %dma_wait3A_199 = tpu.memref_squeeze %dma_wait3A_198 : memref<1x34928xf32, #tpu.memory_space<hbm>> -> memref<34928xf32, #tpu.memory_space<hbm>>
    tpu.wait_dma2 semaphore(%arg10 : memref<!tpu.dma_semaphore, #tpu.memory_space<semaphore_mem>>) src(%dma_wait3A_199 : memref<34928xf32, #tpu.memory_space<hbm>>) dst(%arg6 : memref<34928xf32, #tpu.memory_space<vmem>>)
    %dma_wait3A_200 = arith.constant 0 : i32
    %dma_wait3A_201 = tpu.memref_slice %arg3[%add3A_175, %dma_wait3A_200] : memref<64x34928xf32, #tpu.memory_space<hbm>> -> memref<1x34928xf32, #tpu.memory_space<hbm>>
    %dma_wait3A_202 = tpu.memref_squeeze %dma_wait3A_201 : memref<1x34928xf32, #tpu.memory_space<hbm>> -> memref<34928xf32, #tpu.memory_space<hbm>>
    %dma_wait3A_203 = arith.constant 0 : i32
    %dma_wait3A_204 = tpu.memref_slice %arg3[%add3A_175, %dma_wait3A_203] : memref<64x34928xf32, #tpu.memory_space<hbm>> -> memref<1x34928xf32, #tpu.memory_space<hbm>>
    %dma_wait3A_205 = tpu.memref_squeeze %dma_wait3A_204 : memref<1x34928xf32, #tpu.memory_space<hbm>> -> memref<34928xf32, #tpu.memory_space<hbm>>
    tpu.wait_dma2 semaphore(%arg10 : memref<!tpu.dma_semaphore, #tpu.memory_space<semaphore_mem>>) src(%dma_wait3A_205 : memref<34928xf32, #tpu.memory_space<hbm>>) dst(%arg7 : memref<34928xf32, #tpu.memory_space<vmem>>)
    %dma_wait3A_206 = arith.constant 0 : i32
    %dma_wait3A_207 = tpu.memref_slice %arg4[%add3A_175, %dma_wait3A_206] : memref<64x8732xi32, #tpu.memory_space<hbm>> -> memref<1x8732xi32, #tpu.memory_space<hbm>>
    %dma_wait3A_208 = tpu.memref_squeeze %dma_wait3A_207 : memref<1x8732xi32, #tpu.memory_space<hbm>> -> memref<8732xi32, #tpu.memory_space<hbm>>
    %dma_wait3A_209 = arith.constant 0 : i32
    %dma_wait3A_210 = tpu.memref_slice %arg4[%add3A_175, %dma_wait3A_209] : memref<64x8732xi32, #tpu.memory_space<hbm>> -> memref<1x8732xi32, #tpu.memory_space<hbm>>
    %dma_wait3A_211 = tpu.memref_squeeze %dma_wait3A_210 : memref<1x8732xi32, #tpu.memory_space<hbm>> -> memref<8732xi32, #tpu.memory_space<hbm>>
    tpu.wait_dma2 semaphore(%arg10 : memref<!tpu.dma_semaphore, #tpu.memory_space<semaphore_mem>>) src(%dma_wait3A_211 : memref<8732xi32, #tpu.memory_space<hbm>>) dst(%arg8 : memref<8732xi32, #tpu.memory_space<vmem>>)
    %scan3A_212 = arith.constant 0 : i32
    %scan3A_213 = arith.constant 545 : i32
    %scan3A_214 = arith.addi %scan3A_212, %scan3A_213 : i32
    %scan3A_215 = arith.constant 1 : i32
    %scan3A_216 = scf.for %scan3A_347 = %scan3A_212 to %scan3A_214 step %scan3A_215 iter_args(%scan3A_348 = %add3A_171) -> (vector<16xf32>)  : i32 {
      %mul3A_349 = arith.constant 16 : i32
      %mul3A_350 = arith.muli %mul3A_349, %scan3A_347 : i32
      %get3A_351 = arith.index_cast %mul3A_350 : i32 to index
      %get3A_352 = tpu.vector_load %arg8[%get3A_351] {strides = array<i32>} : memref<8732xi32, #tpu.memory_space<vmem>>, vector<16xi32>,
      %get3A_353 = vector.shape_cast %get3A_352 : vector<16xi32> to vector<16xi32>
      %mul3A_354 = arith.constant 64 : i32
      %mul3A_355 = arith.muli %mul3A_354, %scan3A_347 : i32
      %add3A_356 = arith.constant 0 : i32
      %add3A_357 = arith.addi %mul3A_355, %add3A_356 : i32
      %slice3A_358 = vector.extract_strided_slice %get3A_353 {offsets = [0], sizes = [1], strides = [1]} : vector<16xi32> to vector<1xi32>
      %squeeze3A_359 = vector.extract %slice3A_358[0] : i32 from vector<1xi32>
      %slice3A_360 = vector.extract_strided_slice %get3A_353 {offsets = [1], sizes = [1], strides = [1]} : vector<16xi32> to vector<1xi32>
      %squeeze3A_361 = vector.extract %slice3A_360[0] : i32 from vector<1xi32>
      %slice3A_362 = vector.extract_strided_slice %get3A_353 {offsets = [2], sizes = [1], strides = [1]} : vector<16xi32> to vector<1xi32>
      %squeeze3A_363 = vector.extract %slice3A_362[0] : i32 from vector<1xi32>
      %slice3A_364 = vector.extract_strided_slice %get3A_353 {offsets = [3], sizes = [1], strides = [1]} : vector<16xi32> to vector<1xi32>
      %squeeze3A_365 = vector.extract %slice3A_364[0] : i32 from vector<1xi32>
      %broadcast_in_dim3A_366 = vector.broadcast %squeeze3A_363 : i32 to vector<16xi32>
      %broadcast_in_dim3A_367 = vector.broadcast %squeeze3A_365 : i32 to vector<16xi32>
      %select_n3A_368 = arith.select %eq3A_10, %broadcast_in_dim3A_366, %broadcast_in_dim3A_367 : vector<16xi1>, vector<16xi32>
      %broadcast_in_dim3A_369 = vector.broadcast %squeeze3A_361 : i32 to vector<16xi32>
      %select_n3A_370 = arith.select %eq3A_7, %broadcast_in_dim3A_369, %select_n3A_368 : vector<16xi1>, vector<16xi32>
      %broadcast_in_dim3A_371 = vector.broadcast %squeeze3A_359 : i32 to vector<16xi32>
      %select_n3A_372 = arith.select %eq3A_4, %broadcast_in_dim3A_371, %select_n3A_370 : vector<16xi1>, vector<16xi32>
      %gt3A_373 = arith.constant 0 : i32
      %gt3A_374 = vector.broadcast %gt3A_373 : i32 to vector<16xi32>
      %gt3A_375 = arith.cmpi sgt, %select_n3A_372, %gt3A_374 : vector<16xi32>
      %get3A_376 = arith.index_cast %add3A_357 : i32 to index
      %get3A_377 = tpu.vector_load %arg6[%get3A_376] {strides = array<i32>} : memref<34928xf32, #tpu.memory_space<vmem>>, vector<16xf32>,
      %get3A_378 = vector.shape_cast %get3A_377 : vector<16xf32> to vector<16xf32>
      %get3A_379 = arith.index_cast %add3A_357 : i32 to index
      %get3A_380 = tpu.vector_load %arg7[%get3A_379] {strides = array<i32>} : memref<34928xf32, #tpu.memory_space<vmem>>, vector<16xf32>,
      %get3A_381 = vector.shape_cast %get3A_380 : vector<16xf32> to vector<16xf32>
      %sub3A_382 = arith.subf %get3A_378, %get3A_381 : vector<16xf32>
      %jit3A_383 = arith.constant 0.000000e+00 : f32
      %broadcast_in_dim3A_384 = vector.broadcast %jit3A_383 : f32 to vector<16xf32>
      %select_n3A_385 = arith.select %gt3A_375, %sub3A_382, %broadcast_in_dim3A_384 : vector<16xi1>, vector<16xf32>
      %abs3A_386 = math.absf %select_n3A_385 : vector<16xf32>
      %lt3A_387 = arith.constant 1.000000e+00 : f32
      %lt3A_388 = vector.broadcast %lt3A_387 : f32 to vector<16xf32>
      %lt3A_389 = arith.cmpf olt, %abs3A_386, %lt3A_388 : vector<16xf32>
      %mul3A_390 = arith.constant 5.000000e-01 : f32
      %mul3A_391 = vector.broadcast %mul3A_390 : f32 to vector<16xf32>
      %mul3A_392 = arith.mulf %mul3A_391, %select_n3A_385 : vector<16xf32>
      %mul3A_393 = arith.mulf %mul3A_392, %select_n3A_385 : vector<16xf32>
      %sub3A_394 = arith.constant 5.000000e-01 : f32
      %sub3A_395 = vector.broadcast %sub3A_394 : f32 to vector<16xf32>
      %sub3A_396 = arith.subf %abs3A_386, %sub3A_395 : vector<16xf32>
      %select_n3A_397 = arith.select %lt3A_389, %mul3A_393, %sub3A_396 : vector<16xi1>, vector<16xf32>
      %add3A_398 = arith.addf %scan3A_348, %select_n3A_397 : vector<16xf32>
      %mul3A_399 = arith.constant 64 : i32
      %mul3A_400 = arith.muli %mul3A_399, %scan3A_347 : i32
      %add3A_401 = arith.constant 16 : i32
      %add3A_402 = arith.addi %mul3A_400, %add3A_401 : i32
      %slice3A_403 = vector.extract_strided_slice %get3A_353 {offsets = [4], sizes = [1], strides = [1]} : vector<16xi32> to vector<1xi32>
      %squeeze3A_404 = vector.extract %slice3A_403[0] : i32 from vector<1xi32>
      %slice3A_405 = vector.extract_strided_slice %get3A_353 {offsets = [5], sizes = [1], strides = [1]} : vector<16xi32> to vector<1xi32>
      %squeeze3A_406 = vector.extract %slice3A_405[0] : i32 from vector<1xi32>
      %slice3A_407 = vector.extract_strided_slice %get3A_353 {offsets = [6], sizes = [1], strides = [1]} : vector<16xi32> to vector<1xi32>
      %squeeze3A_408 = vector.extract %slice3A_407[0] : i32 from vector<1xi32>
      %slice3A_409 = vector.extract_strided_slice %get3A_353 {offsets = [7], sizes = [1], strides = [1]} : vector<16xi32> to vector<1xi32>
      %squeeze3A_410 = vector.extract %slice3A_409[0] : i32 from vector<1xi32>
      %broadcast_in_dim3A_411 = vector.broadcast %squeeze3A_408 : i32 to vector<16xi32>
      %broadcast_in_dim3A_412 = vector.broadcast %squeeze3A_410 : i32 to vector<16xi32>
      %select_n3A_413 = arith.select %eq3A_10, %broadcast_in_dim3A_411, %broadcast_in_dim3A_412 : vector<16xi1>, vector<16xi32>
      %broadcast_in_dim3A_414 = vector.broadcast %squeeze3A_406 : i32 to vector<16xi32>
      %select_n3A_415 = arith.select %eq3A_7, %broadcast_in_dim3A_414, %select_n3A_413 : vector<16xi1>, vector<16xi32>
      %broadcast_in_dim3A_416 = vector.broadcast %squeeze3A_404 : i32 to vector<16xi32>
      %select_n3A_417 = arith.select %eq3A_4, %broadcast_in_dim3A_416, %select_n3A_415 : vector<16xi1>, vector<16xi32>
      %gt3A_418 = arith.constant 0 : i32
      %gt3A_419 = vector.broadcast %gt3A_418 : i32 to vector<16xi32>
      %gt3A_420 = arith.cmpi sgt, %select_n3A_417, %gt3A_419 : vector<16xi32>
      %get3A_421 = arith.index_cast %add3A_402 : i32 to index
      %get3A_422 = tpu.vector_load %arg6[%get3A_421] {strides = array<i32>} : memref<34928xf32, #tpu.memory_space<vmem>>, vector<16xf32>,
      %get3A_423 = vector.shape_cast %get3A_422 : vector<16xf32> to vector<16xf32>
      %get3A_424 = arith.index_cast %add3A_402 : i32 to index
      %get3A_425 = tpu.vector_load %arg7[%get3A_424] {strides = array<i32>} : memref<34928xf32, #tpu.memory_space<vmem>>, vector<16xf32>,
      %get3A_426 = vector.shape_cast %get3A_425 : vector<16xf32> to vector<16xf32>
      %sub3A_427 = arith.subf %get3A_423, %get3A_426 : vector<16xf32>
      %jit3A_428 = arith.constant 0.000000e+00 : f32
      %broadcast_in_dim3A_429 = vector.broadcast %jit3A_428 : f32 to vector<16xf32>
      %select_n3A_430 = arith.select %gt3A_420, %sub3A_427, %broadcast_in_dim3A_429 : vector<16xi1>, vector<16xf32>
      %abs3A_431 = math.absf %select_n3A_430 : vector<16xf32>
      %lt3A_432 = arith.constant 1.000000e+00 : f32
      %lt3A_433 = vector.broadcast %lt3A_432 : f32 to vector<16xf32>
      %lt3A_434 = arith.cmpf olt, %abs3A_431, %lt3A_433 : vector<16xf32>
      %mul3A_435 = arith.constant 5.000000e-01 : f32
      %mul3A_436 = vector.broadcast %mul3A_435 : f32 to vector<16xf32>
      %mul3A_437 = arith.mulf %mul3A_436, %select_n3A_430 : vector<16xf32>
      %mul3A_438 = arith.mulf %mul3A_437, %select_n3A_430 : vector<16xf32>
      %sub3A_439 = arith.constant 5.000000e-01 : f32
      %sub3A_440 = vector.broadcast %sub3A_439 : f32 to vector<16xf32>
      %sub3A_441 = arith.subf %abs3A_431, %sub3A_440 : vector<16xf32>
      %select_n3A_442 = arith.select %lt3A_434, %mul3A_438, %sub3A_441 : vector<16xi1>, vector<16xf32>
      %add3A_443 = arith.addf %add3A_398, %select_n3A_442 : vector<16xf32>
      %mul3A_444 = arith.constant 64 : i32
      %mul3A_445 = arith.muli %mul3A_444, %scan3A_347 : i32
      %add3A_446 = arith.constant 32 : i32
      %add3A_447 = arith.addi %mul3A_445, %add3A_446 : i32
      %slice3A_448 = vector.extract_strided_slice %get3A_353 {offsets = [8], sizes = [1], strides = [1]} : vector<16xi32> to vector<1xi32>
      %squeeze3A_449 = vector.extract %slice3A_448[0] : i32 from vector<1xi32>
      %slice3A_450 = vector.extract_strided_slice %get3A_353 {offsets = [9], sizes = [1], strides = [1]} : vector<16xi32> to vector<1xi32>
      %squeeze3A_451 = vector.extract %slice3A_450[0] : i32 from vector<1xi32>
      %slice3A_452 = vector.extract_strided_slice %get3A_353 {offsets = [10], sizes = [1], strides = [1]} : vector<16xi32> to vector<1xi32>
      %squeeze3A_453 = vector.extract %slice3A_452[0] : i32 from vector<1xi32>
      %slice3A_454 = vector.extract_strided_slice %get3A_353 {offsets = [11], sizes = [1], strides = [1]} : vector<16xi32> to vector<1xi32>
      %squeeze3A_455 = vector.extract %slice3A_454[0] : i32 from vector<1xi32>
      %broadcast_in_dim3A_456 = vector.broadcast %squeeze3A_453 : i32 to vector<16xi32>
      %broadcast_in_dim3A_457 = vector.broadcast %squeeze3A_455 : i32 to vector<16xi32>
      %select_n3A_458 = arith.select %eq3A_10, %broadcast_in_dim3A_456, %broadcast_in_dim3A_457 : vector<16xi1>, vector<16xi32>
      %broadcast_in_dim3A_459 = vector.broadcast %squeeze3A_451 : i32 to vector<16xi32>
      %select_n3A_460 = arith.select %eq3A_7, %broadcast_in_dim3A_459, %select_n3A_458 : vector<16xi1>, vector<16xi32>
      %broadcast_in_dim3A_461 = vector.broadcast %squeeze3A_449 : i32 to vector<16xi32>
      %select_n3A_462 = arith.select %eq3A_4, %broadcast_in_dim3A_461, %select_n3A_460 : vector<16xi1>, vector<16xi32>
      %gt3A_463 = arith.constant 0 : i32
      %gt3A_464 = vector.broadcast %gt3A_463 : i32 to vector<16xi32>
      %gt3A_465 = arith.cmpi sgt, %select_n3A_462, %gt3A_464 : vector<16xi32>
      %get3A_466 = arith.index_cast %add3A_447 : i32 to index
      %get3A_467 = tpu.vector_load %arg6[%get3A_466] {strides = array<i32>} : memref<34928xf32, #tpu.memory_space<vmem>>, vector<16xf32>,
      %get3A_468 = vector.shape_cast %get3A_467 : vector<16xf32> to vector<16xf32>
      %get3A_469 = arith.index_cast %add3A_447 : i32 to index
      %get3A_470 = tpu.vector_load %arg7[%get3A_469] {strides = array<i32>} : memref<34928xf32, #tpu.memory_space<vmem>>, vector<16xf32>,
      %get3A_471 = vector.shape_cast %get3A_470 : vector<16xf32> to vector<16xf32>
      %sub3A_472 = arith.subf %get3A_468, %get3A_471 : vector<16xf32>
      %jit3A_473 = arith.constant 0.000000e+00 : f32
      %broadcast_in_dim3A_474 = vector.broadcast %jit3A_473 : f32 to vector<16xf32>
      %select_n3A_475 = arith.select %gt3A_465, %sub3A_472, %broadcast_in_dim3A_474 : vector<16xi1>, vector<16xf32>
      %abs3A_476 = math.absf %select_n3A_475 : vector<16xf32>
      %lt3A_477 = arith.constant 1.000000e+00 : f32
      %lt3A_478 = vector.broadcast %lt3A_477 : f32 to vector<16xf32>
      %lt3A_479 = arith.cmpf olt, %abs3A_476, %lt3A_478 : vector<16xf32>
      %mul3A_480 = arith.constant 5.000000e-01 : f32
      %mul3A_481 = vector.broadcast %mul3A_480 : f32 to vector<16xf32>
      %mul3A_482 = arith.mulf %mul3A_481, %select_n3A_475 : vector<16xf32>
      %mul3A_483 = arith.mulf %mul3A_482, %select_n3A_475 : vector<16xf32>
      %sub3A_484 = arith.constant 5.000000e-01 : f32
      %sub3A_485 = vector.broadcast %sub3A_484 : f32 to vector<16xf32>
      %sub3A_486 = arith.subf %abs3A_476, %sub3A_485 : vector<16xf32>
      %select_n3A_487 = arith.select %lt3A_479, %mul3A_483, %sub3A_486 : vector<16xi1>, vector<16xf32>
      %add3A_488 = arith.addf %add3A_443, %select_n3A_487 : vector<16xf32>
      %mul3A_489 = arith.constant 64 : i32
      %mul3A_490 = arith.muli %mul3A_489, %scan3A_347 : i32
      %add3A_491 = arith.constant 48 : i32
      %add3A_492 = arith.addi %mul3A_490, %add3A_491 : i32
      %slice3A_493 = vector.extract_strided_slice %get3A_353 {offsets = [12], sizes = [1], strides = [1]} : vector<16xi32> to vector<1xi32>
      %squeeze3A_494 = vector.extract %slice3A_493[0] : i32 from vector<1xi32>
      %slice3A_495 = vector.extract_strided_slice %get3A_353 {offsets = [13], sizes = [1], strides = [1]} : vector<16xi32> to vector<1xi32>
      %squeeze3A_496 = vector.extract %slice3A_495[0] : i32 from vector<1xi32>
      %slice3A_497 = vector.extract_strided_slice %get3A_353 {offsets = [14], sizes = [1], strides = [1]} : vector<16xi32> to vector<1xi32>
      %squeeze3A_498 = vector.extract %slice3A_497[0] : i32 from vector<1xi32>
      %slice3A_499 = vector.extract_strided_slice %get3A_353 {offsets = [15], sizes = [1], strides = [1]} : vector<16xi32> to vector<1xi32>
      %squeeze3A_500 = vector.extract %slice3A_499[0] : i32 from vector<1xi32>
      %broadcast_in_dim3A_501 = vector.broadcast %squeeze3A_498 : i32 to vector<16xi32>
      %broadcast_in_dim3A_502 = vector.broadcast %squeeze3A_500 : i32 to vector<16xi32>
      %select_n3A_503 = arith.select %eq3A_10, %broadcast_in_dim3A_501, %broadcast_in_dim3A_502 : vector<16xi1>, vector<16xi32>
      %broadcast_in_dim3A_504 = vector.broadcast %squeeze3A_496 : i32 to vector<16xi32>
      %select_n3A_505 = arith.select %eq3A_7, %broadcast_in_dim3A_504, %select_n3A_503 : vector<16xi1>, vector<16xi32>
      %broadcast_in_dim3A_506 = vector.broadcast %squeeze3A_494 : i32 to vector<16xi32>
      %select_n3A_507 = arith.select %eq3A_4, %broadcast_in_dim3A_506, %select_n3A_505 : vector<16xi1>, vector<16xi32>
      %gt3A_508 = arith.constant 0 : i32
      %gt3A_509 = vector.broadcast %gt3A_508 : i32 to vector<16xi32>
      %gt3A_510 = arith.cmpi sgt, %select_n3A_507, %gt3A_509 : vector<16xi32>
      %get3A_511 = arith.index_cast %add3A_492 : i32 to index
      %get3A_512 = tpu.vector_load %arg6[%get3A_511] {strides = array<i32>} : memref<34928xf32, #tpu.memory_space<vmem>>, vector<16xf32>,
      %get3A_513 = vector.shape_cast %get3A_512 : vector<16xf32> to vector<16xf32>
      %get3A_514 = arith.index_cast %add3A_492 : i32 to index
      %get3A_515 = tpu.vector_load %arg7[%get3A_514] {strides = array<i32>} : memref<34928xf32, #tpu.memory_space<vmem>>, vector<16xf32>,
      %get3A_516 = vector.shape_cast %get3A_515 : vector<16xf32> to vector<16xf32>
      %sub3A_517 = arith.subf %get3A_513, %get3A_516 : vector<16xf32>
      %jit3A_518 = arith.constant 0.000000e+00 : f32
      %broadcast_in_dim3A_519 = vector.broadcast %jit3A_518 : f32 to vector<16xf32>
      %select_n3A_520 = arith.select %gt3A_510, %sub3A_517, %broadcast_in_dim3A_519 : vector<16xi1>, vector<16xf32>
      %abs3A_521 = math.absf %select_n3A_520 : vector<16xf32>
      %lt3A_522 = arith.constant 1.000000e+00 : f32
      %lt3A_523 = vector.broadcast %lt3A_522 : f32 to vector<16xf32>
      %lt3A_524 = arith.cmpf olt, %abs3A_521, %lt3A_523 : vector<16xf32>
      %mul3A_525 = arith.constant 5.000000e-01 : f32
      %mul3A_526 = vector.broadcast %mul3A_525 : f32 to vector<16xf32>
      %mul3A_527 = arith.mulf %mul3A_526, %select_n3A_520 : vector<16xf32>
      %mul3A_528 = arith.mulf %mul3A_527, %select_n3A_520 : vector<16xf32>
      %sub3A_529 = arith.constant 5.000000e-01 : f32
      %sub3A_530 = vector.broadcast %sub3A_529 : f32 to vector<16xf32>
      %sub3A_531 = arith.subf %abs3A_521, %sub3A_530 : vector<16xf32>
      %select_n3A_532 = arith.select %lt3A_524, %mul3A_528, %sub3A_531 : vector<16xi1>, vector<16xf32>
      %add3A_533 = arith.addf %add3A_488, %select_n3A_532 : vector<16xf32>
      scf.yield %add3A_533 : vector<16xf32>
    }
    %scan3A_217 = arith.constant 545 : i32
    %get3A_218 = arith.constant 8716 : index
    %get3A_219 = tpu.vector_load %arg8[%get3A_218] {strides = array<i32>} : memref<8732xi32, #tpu.memory_space<vmem>>, vector<16xi32>,
    %get3A_220 = vector.shape_cast %get3A_219 : vector<16xi32> to vector<16xi32>
    %slice3A_221 = vector.extract_strided_slice %get3A_220 {offsets = [4], sizes = [1], strides = [1]} : vector<16xi32> to vector<1xi32>
    %squeeze3A_222 = vector.extract %slice3A_221[0] : i32 from vector<1xi32>
    %slice3A_223 = vector.extract_strided_slice %get3A_220 {offsets = [5], sizes = [1], strides = [1]} : vector<16xi32> to vector<1xi32>
    %squeeze3A_224 = vector.extract %slice3A_223[0] : i32 from vector<1xi32>
    %slice3A_225 = vector.extract_strided_slice %get3A_220 {offsets = [6], sizes = [1], strides = [1]} : vector<16xi32> to vector<1xi32>
    %squeeze3A_226 = vector.extract %slice3A_225[0] : i32 from vector<1xi32>
    %slice3A_227 = vector.extract_strided_slice %get3A_220 {offsets = [7], sizes = [1], strides = [1]} : vector<16xi32> to vector<1xi32>
    %squeeze3A_228 = vector.extract %slice3A_227[0] : i32 from vector<1xi32>
    %broadcast_in_dim3A_229 = vector.broadcast %squeeze3A_226 : i32 to vector<16xi32>
    %broadcast_in_dim3A_230 = vector.broadcast %squeeze3A_228 : i32 to vector<16xi32>
    %select_n3A_231 = arith.select %eq3A_10, %broadcast_in_dim3A_229, %broadcast_in_dim3A_230 : vector<16xi1>, vector<16xi32>
    %broadcast_in_dim3A_232 = vector.broadcast %squeeze3A_224 : i32 to vector<16xi32>
    %select_n3A_233 = arith.select %eq3A_7, %broadcast_in_dim3A_232, %select_n3A_231 : vector<16xi1>, vector<16xi32>
    %broadcast_in_dim3A_234 = vector.broadcast %squeeze3A_222 : i32 to vector<16xi32>
    %select_n3A_235 = arith.select %eq3A_4, %broadcast_in_dim3A_234, %select_n3A_233 : vector<16xi1>, vector<16xi32>
    %gt3A_236 = arith.constant 0 : i32
    %gt3A_237 = vector.broadcast %gt3A_236 : i32 to vector<16xi32>
    %gt3A_238 = arith.cmpi sgt, %select_n3A_235, %gt3A_237 : vector<16xi32>
    %get3A_239 = arith.constant 34880 : index
    %get3A_240 = tpu.vector_load %arg6[%get3A_239] {strides = array<i32>} : memref<34928xf32, #tpu.memory_space<vmem>>, vector<16xf32>,
    %get3A_241 = vector.shape_cast %get3A_240 : vector<16xf32> to vector<16xf32>
    %get3A_242 = arith.constant 34880 : index
    %get3A_243 = tpu.vector_load %arg7[%get3A_242] {strides = array<i32>} : memref<34928xf32, #tpu.memory_space<vmem>>, vector<16xf32>,
    %get3A_244 = vector.shape_cast %get3A_243 : vector<16xf32> to vector<16xf32>
    %sub3A_245 = arith.subf %get3A_241, %get3A_244 : vector<16xf32>
    %jit3A_246 = arith.constant 0.000000e+00 : f32
    %broadcast_in_dim3A_247 = vector.broadcast %jit3A_246 : f32 to vector<16xf32>
    %select_n3A_248 = arith.select %gt3A_238, %sub3A_245, %broadcast_in_dim3A_247 : vector<16xi1>, vector<16xf32>
    %abs3A_249 = math.absf %select_n3A_248 : vector<16xf32>
    %lt3A_250 = arith.constant 1.000000e+00 : f32
    %lt3A_251 = vector.broadcast %lt3A_250 : f32 to vector<16xf32>
    %lt3A_252 = arith.cmpf olt, %abs3A_249, %lt3A_251 : vector<16xf32>
    %mul3A_253 = arith.constant 5.000000e-01 : f32
    %mul3A_254 = vector.broadcast %mul3A_253 : f32 to vector<16xf32>
    %mul3A_255 = arith.mulf %mul3A_254, %select_n3A_248 : vector<16xf32>
    %mul3A_256 = arith.mulf %mul3A_255, %select_n3A_248 : vector<16xf32>
    %sub3A_257 = arith.constant 5.000000e-01 : f32
    %sub3A_258 = vector.broadcast %sub3A_257 : f32 to vector<16xf32>
    %sub3A_259 = arith.subf %abs3A_249, %sub3A_258 : vector<16xf32>
    %select_n3A_260 = arith.select %lt3A_252, %mul3A_256, %sub3A_259 : vector<16xi1>, vector<16xf32>
    %add3A_261 = arith.addf %scan3A_216, %select_n3A_260 : vector<16xf32>
    %slice3A_262 = vector.extract_strided_slice %get3A_220 {offsets = [8], sizes = [1], strides = [1]} : vector<16xi32> to vector<1xi32>
    %squeeze3A_263 = vector.extract %slice3A_262[0] : i32 from vector<1xi32>
    %slice3A_264 = vector.extract_strided_slice %get3A_220 {offsets = [9], sizes = [1], strides = [1]} : vector<16xi32> to vector<1xi32>
    %squeeze3A_265 = vector.extract %slice3A_264[0] : i32 from vector<1xi32>
    %slice3A_266 = vector.extract_strided_slice %get3A_220 {offsets = [10], sizes = [1], strides = [1]} : vector<16xi32> to vector<1xi32>
    %squeeze3A_267 = vector.extract %slice3A_266[0] : i32 from vector<1xi32>
    %slice3A_268 = vector.extract_strided_slice %get3A_220 {offsets = [11], sizes = [1], strides = [1]} : vector<16xi32> to vector<1xi32>
    %squeeze3A_269 = vector.extract %slice3A_268[0] : i32 from vector<1xi32>
    %broadcast_in_dim3A_270 = vector.broadcast %squeeze3A_267 : i32 to vector<16xi32>
    %broadcast_in_dim3A_271 = vector.broadcast %squeeze3A_269 : i32 to vector<16xi32>
    %select_n3A_272 = arith.select %eq3A_10, %broadcast_in_dim3A_270, %broadcast_in_dim3A_271 : vector<16xi1>, vector<16xi32>
    %broadcast_in_dim3A_273 = vector.broadcast %squeeze3A_265 : i32 to vector<16xi32>
    %select_n3A_274 = arith.select %eq3A_7, %broadcast_in_dim3A_273, %select_n3A_272 : vector<16xi1>, vector<16xi32>
    %broadcast_in_dim3A_275 = vector.broadcast %squeeze3A_263 : i32 to vector<16xi32>
    %select_n3A_276 = arith.select %eq3A_4, %broadcast_in_dim3A_275, %select_n3A_274 : vector<16xi1>, vector<16xi32>
    %gt3A_277 = arith.constant 0 : i32
    %gt3A_278 = vector.broadcast %gt3A_277 : i32 to vector<16xi32>
    %gt3A_279 = arith.cmpi sgt, %select_n3A_276, %gt3A_278 : vector<16xi32>
    %get3A_280 = arith.constant 34896 : index
    %get3A_281 = tpu.vector_load %arg6[%get3A_280] {strides = array<i32>} : memref<34928xf32, #tpu.memory_space<vmem>>, vector<16xf32>,
    %get3A_282 = vector.shape_cast %get3A_281 : vector<16xf32> to vector<16xf32>
    %get3A_283 = arith.constant 34896 : index
    %get3A_284 = tpu.vector_load %arg7[%get3A_283] {strides = array<i32>} : memref<34928xf32, #tpu.memory_space<vmem>>, vector<16xf32>,
    %get3A_285 = vector.shape_cast %get3A_284 : vector<16xf32> to vector<16xf32>
    %sub3A_286 = arith.subf %get3A_282, %get3A_285 : vector<16xf32>
    %jit3A_287 = arith.constant 0.000000e+00 : f32
    %broadcast_in_dim3A_288 = vector.broadcast %jit3A_287 : f32 to vector<16xf32>
    %select_n3A_289 = arith.select %gt3A_279, %sub3A_286, %broadcast_in_dim3A_288 : vector<16xi1>, vector<16xf32>
    %abs3A_290 = math.absf %select_n3A_289 : vector<16xf32>
    %lt3A_291 = arith.constant 1.000000e+00 : f32
    %lt3A_292 = vector.broadcast %lt3A_291 : f32 to vector<16xf32>
    %lt3A_293 = arith.cmpf olt, %abs3A_290, %lt3A_292 : vector<16xf32>
    %mul3A_294 = arith.constant 5.000000e-01 : f32
    %mul3A_295 = vector.broadcast %mul3A_294 : f32 to vector<16xf32>
    %mul3A_296 = arith.mulf %mul3A_295, %select_n3A_289 : vector<16xf32>
    %mul3A_297 = arith.mulf %mul3A_296, %select_n3A_289 : vector<16xf32>
    %sub3A_298 = arith.constant 5.000000e-01 : f32
    %sub3A_299 = vector.broadcast %sub3A_298 : f32 to vector<16xf32>
    %sub3A_300 = arith.subf %abs3A_290, %sub3A_299 : vector<16xf32>
    %select_n3A_301 = arith.select %lt3A_293, %mul3A_297, %sub3A_300 : vector<16xi1>, vector<16xf32>
    %add3A_302 = arith.addf %add3A_261, %select_n3A_301 : vector<16xf32>
    %slice3A_303 = vector.extract_strided_slice %get3A_220 {offsets = [12], sizes = [1], strides = [1]} : vector<16xi32> to vector<1xi32>
    %squeeze3A_304 = vector.extract %slice3A_303[0] : i32 from vector<1xi32>
    %slice3A_305 = vector.extract_strided_slice %get3A_220 {offsets = [13], sizes = [1], strides = [1]} : vector<16xi32> to vector<1xi32>
    %squeeze3A_306 = vector.extract %slice3A_305[0] : i32 from vector<1xi32>
    %slice3A_307 = vector.extract_strided_slice %get3A_220 {offsets = [14], sizes = [1], strides = [1]} : vector<16xi32> to vector<1xi32>
    %squeeze3A_308 = vector.extract %slice3A_307[0] : i32 from vector<1xi32>
    %slice3A_309 = vector.extract_strided_slice %get3A_220 {offsets = [15], sizes = [1], strides = [1]} : vector<16xi32> to vector<1xi32>
    %squeeze3A_310 = vector.extract %slice3A_309[0] : i32 from vector<1xi32>
    %broadcast_in_dim3A_311 = vector.broadcast %squeeze3A_308 : i32 to vector<16xi32>
    %broadcast_in_dim3A_312 = vector.broadcast %squeeze3A_310 : i32 to vector<16xi32>
    %select_n3A_313 = arith.select %eq3A_10, %broadcast_in_dim3A_311, %broadcast_in_dim3A_312 : vector<16xi1>, vector<16xi32>
    %broadcast_in_dim3A_314 = vector.broadcast %squeeze3A_306 : i32 to vector<16xi32>
    %select_n3A_315 = arith.select %eq3A_7, %broadcast_in_dim3A_314, %select_n3A_313 : vector<16xi1>, vector<16xi32>
    %broadcast_in_dim3A_316 = vector.broadcast %squeeze3A_304 : i32 to vector<16xi32>
    %select_n3A_317 = arith.select %eq3A_4, %broadcast_in_dim3A_316, %select_n3A_315 : vector<16xi1>, vector<16xi32>
    %gt3A_318 = arith.constant 0 : i32
    %gt3A_319 = vector.broadcast %gt3A_318 : i32 to vector<16xi32>
    %gt3A_320 = arith.cmpi sgt, %select_n3A_317, %gt3A_319 : vector<16xi32>
    %get3A_321 = arith.constant 34912 : index
    %get3A_322 = tpu.vector_load %arg6[%get3A_321] {strides = array<i32>} : memref<34928xf32, #tpu.memory_space<vmem>>, vector<16xf32>,
    %get3A_323 = vector.shape_cast %get3A_322 : vector<16xf32> to vector<16xf32>
    %get3A_324 = arith.constant 34912 : index
    %get3A_325 = tpu.vector_load %arg7[%get3A_324] {strides = array<i32>} : memref<34928xf32, #tpu.memory_space<vmem>>, vector<16xf32>,
    %get3A_326 = vector.shape_cast %get3A_325 : vector<16xf32> to vector<16xf32>
    %sub3A_327 = arith.subf %get3A_323, %get3A_326 : vector<16xf32>
    %jit3A_328 = arith.constant 0.000000e+00 : f32
    %broadcast_in_dim3A_329 = vector.broadcast %jit3A_328 : f32 to vector<16xf32>
    %select_n3A_330 = arith.select %gt3A_320, %sub3A_327, %broadcast_in_dim3A_329 : vector<16xi1>, vector<16xf32>
    %abs3A_331 = math.absf %select_n3A_330 : vector<16xf32>
    %lt3A_332 = arith.constant 1.000000e+00 : f32
    %lt3A_333 = vector.broadcast %lt3A_332 : f32 to vector<16xf32>
    %lt3A_334 = arith.cmpf olt, %abs3A_331, %lt3A_333 : vector<16xf32>
    %mul3A_335 = arith.constant 5.000000e-01 : f32
    %mul3A_336 = vector.broadcast %mul3A_335 : f32 to vector<16xf32>
    %mul3A_337 = arith.mulf %mul3A_336, %select_n3A_330 : vector<16xf32>
    %mul3A_338 = arith.mulf %mul3A_337, %select_n3A_330 : vector<16xf32>
    %sub3A_339 = arith.constant 5.000000e-01 : f32
    %sub3A_340 = vector.broadcast %sub3A_339 : f32 to vector<16xf32>
    %sub3A_341 = arith.subf %abs3A_331, %sub3A_340 : vector<16xf32>
    %select_n3A_342 = arith.select %lt3A_334, %mul3A_338, %sub3A_341 : vector<16xi1>, vector<16xf32>
    %add3A_343 = arith.addf %add3A_302, %select_n3A_342 : vector<16xf32>
    %swap3A = arith.constant 0 : index
    %swap3A_344 = tpu.vector_load %arg9[%swap3A] {strides = array<i32>} : memref<16xf32, #tpu.memory_space<vmem>>, vector<16xf32>,
    %swap3A_345 = vector.shape_cast %swap3A_344 : vector<16xf32> to vector<16xf32>
    %swap3A_346 = vector.shape_cast %add3A_343 : vector<16xf32> to vector<16xf32>
    tpu.vector_store %arg9[%swap3A], %swap3A_346 {strides = array<i32>} : memref<16xf32, #tpu.memory_space<vmem>>, vector<16xf32>,
    "tpu.region"() ({
      %run_scoped3A = tpu.sem_alloc : memref<!tpu.dma_semaphore, #tpu.memory_space<semaphore_mem>>
      %dma_start3A_347 = arith.constant 0 : i32
      %dma_start3A_348 = tpu.memref_slice %arg5[%add3A, %dma_start3A_347] : memref<32x16xf32, #tpu.memory_space<hbm>> -> memref<1x16xf32, #tpu.memory_space<hbm>>
      %dma_start3A_349 = tpu.memref_squeeze %dma_start3A_348 : memref<1x16xf32, #tpu.memory_space<hbm>> -> memref<16xf32, #tpu.memory_space<hbm>>
      %dma_start3A_350 = arith.constant 0 : i32
      %dma_start3A_351 = tpu.memref_slice %arg5[%add3A, %dma_start3A_350] : memref<32x16xf32, #tpu.memory_space<hbm>> -> memref<1x16xf32, #tpu.memory_space<hbm>>
      %dma_start3A_352 = tpu.memref_squeeze %dma_start3A_351 : memref<1x16xf32, #tpu.memory_space<hbm>> -> memref<16xf32, #tpu.memory_space<hbm>>
      tpu.enqueue_dma source(%arg9 : memref<16xf32, #tpu.memory_space<vmem>>) target(%dma_start3A_352 : memref<16xf32, #tpu.memory_space<hbm>>) target_semaphore(%run_scoped3A : memref<!tpu.dma_semaphore, #tpu.memory_space<semaphore_mem>>)
      %dma_wait3A_353 = arith.constant 0 : i32
      %dma_wait3A_354 = tpu.memref_slice %arg5[%add3A, %dma_wait3A_353] : memref<32x16xf32, #tpu.memory_space<hbm>> -> memref<1x16xf32, #tpu.memory_space<hbm>>
      %dma_wait3A_355 = tpu.memref_squeeze %dma_wait3A_354 : memref<1x16xf32, #tpu.memory_space<hbm>> -> memref<16xf32, #tpu.memory_space<hbm>>
      %dma_wait3A_356 = arith.constant 0 : i32
      %dma_wait3A_357 = tpu.memref_slice %arg5[%add3A, %dma_wait3A_356] : memref<32x16xf32, #tpu.memory_space<hbm>> -> memref<1x16xf32, #tpu.memory_space<hbm>>
      %dma_wait3A_358 = tpu.memref_squeeze %dma_wait3A_357 : memref<1x16xf32, #tpu.memory_space<hbm>> -> memref<16xf32, #tpu.memory_space<hbm>>
      tpu.wait_dma2 semaphore(%run_scoped3A : memref<!tpu.dma_semaphore, #tpu.memory_space<semaphore_mem>>) src(%arg9 : memref<16xf32, #tpu.memory_space<vmem>>) dst(%dma_wait3A_358 : memref<16xf32, #tpu.memory_space<hbm>>)
      tpu.yield
    }) : () -> ()
    return
  }
}

module attributes {stable_mosaic.version = 14 : i64} {
  func.func @_tc_body(%arg0: i32, %arg1: memref<1x8732x81xf32, #tpu.memory_space<vmem>>, %arg2: memref<1x1x8732xi32, #tpu.memory_space<vmem>>, %arg3: memref<1x2xf32, #tpu.memory_space<vmem>>, %arg4: memref<64x8732xf32, #tpu.memory_space<vmem>>, %arg5: memref<64x128xf32, #tpu.memory_space<vmem>>) attributes {dimension_semantics = [#tpu.dimension_semantics<arbitrary>], iteration_bounds = array<i64: 64>, scalar_prefetch = 0 : i64, scratch_operands = 2 : i64, tpu.core_type = #tpu.core_type<tc>, window_params = [{transform_indices = @transform_0, window_bounds = array<i64: 1, 8732, 81>}, {transform_indices = @transform_1, window_bounds = array<i64: 1, 1, 8732>}, {pipeline_mode = #tpu.pipeline_mode<synchronous>, transform_indices = @transform_2, window_bounds = array<i64: 1, 2>}]} {
    %get3A = arith.constant 0 : index
    %get3A_0 = arith.constant 0 : index
    %get3A_1 = arith.constant 0 : index
    %get3A_2 = vector.load %arg1[%get3A, %get3A_0, %get3A_1] : memref<1x8732x81xf32, #tpu.memory_space<vmem>>, vector<1x8732x81xf32>
    %get3A_3 = vector.shape_cast %get3A_2 : vector<1x8732x81xf32> to vector<8732x81xf32>
    %transpose3A = tpu.transpose %get3A_3, [1, 0] : vector<8732x81xf32> -> vector<81x8732xf32>
    %get3A_4 = arith.constant 0 : index
    %get3A_5 = arith.constant 0 : index
    %get3A_6 = arith.constant 0 : index
    %get3A_7 = vector.load %arg2[%get3A_4, %get3A_5, %get3A_6] : memref<1x1x8732xi32, #tpu.memory_space<vmem>>, vector<1x1x8732xi32>
    %get3A_8 = vector.shape_cast %get3A_7 : vector<1x1x8732xi32> to vector<1x8732xi32>
    %reduce_max3A = arith.constant dense<0xFF800000> : vector<8732xf32>
    %reduce_max3A_9 = vector.multi_reduction <maximumf>, %transpose3A, %reduce_max3A [0] : vector<81x8732xf32> to vector<8732xf32>
    %broadcast_in_dim3A = vector.shape_cast %reduce_max3A_9 : vector<8732xf32> to vector<1x8732xf32>
    %sub3A = vector.broadcast %broadcast_in_dim3A : vector<1x8732xf32> to vector<81x8732xf32>
    %sub3A_10 = arith.subf %transpose3A, %sub3A : vector<81x8732xf32>
    %exp3A = math.exp %sub3A_10 : vector<81x8732xf32>
    %reduce_sum3A = arith.constant dense<0.000000e+00> : vector<8732xf32>
    %reduce_sum3A_11 = vector.multi_reduction <add>, %exp3A, %reduce_sum3A [0] : vector<81x8732xf32> to vector<8732xf32>
    %broadcast_in_dim3A_12 = vector.shape_cast %reduce_sum3A_11 : vector<8732xf32> to vector<1x8732xf32>
    %log3A = math.log %broadcast_in_dim3A_12 : vector<1x8732xf32>
    %add3A = arith.addf %log3A, %broadcast_in_dim3A : vector<1x8732xf32>
    %iota3A = tpu.iota {dimensions = array<i32: 0>} : vector<81x8732xi32>
    %eq3A = vector.broadcast %get3A_8 : vector<1x8732xi32> to vector<81x8732xi32>
    %eq3A_13 = arith.cmpi eq, %iota3A, %eq3A : vector<81x8732xi32>
    %jit3A = arith.constant 0.000000e+00 : f32
    %broadcast_in_dim3A_14 = vector.broadcast %jit3A : f32 to vector<81x8732xf32>
    %select_n3A = arith.select %eq3A_13, %transpose3A, %broadcast_in_dim3A_14 : vector<81x8732xi1>, vector<81x8732xf32>
    %reduce_sum3A_15 = arith.constant dense<0.000000e+00> : vector<8732xf32>
    %reduce_sum3A_16 = vector.multi_reduction <add>, %select_n3A, %reduce_sum3A_15 [0] : vector<81x8732xf32> to vector<8732xf32>
    %broadcast_in_dim3A_17 = vector.shape_cast %reduce_sum3A_16 : vector<8732xf32> to vector<1x8732xf32>
    %sub3A_18 = arith.subf %add3A, %broadcast_in_dim3A_17 : vector<1x8732xf32>
    %gt3A = arith.constant 0 : i32
    %gt3A_19 = vector.broadcast %gt3A : i32 to vector<1x8732xi32>
    %gt3A_20 = arith.cmpi sgt, %get3A_8, %gt3A_19 : vector<1x8732xi32>
    %jit3A_21 = arith.constant 0.000000e+00 : f32
    %broadcast_in_dim3A_22 = vector.broadcast %jit3A_21 : f32 to vector<1x8732xf32>
    %select_n3A_23 = arith.select %gt3A_20, %broadcast_in_dim3A_22, %sub3A_18 : vector<1x8732xi1>, vector<1x8732xf32>
    %max3A = arith.constant 0.000000e+00 : f32
    %max3A_24 = vector.broadcast %max3A : f32 to vector<1x8732xf32>
    %max3A_25 = arith.maximumf %select_n3A_23, %max3A_24 : vector<1x8732xf32>
    %swap3A = arith.index_cast %arg0 : i32 to index
    %swap3A_26 = arith.constant 0 : index
    %swap3A_27 = vector.load %arg4[%swap3A, %swap3A_26] : memref<64x8732xf32, #tpu.memory_space<vmem>>, vector<1x8732xf32>
    tpu.vector_store %arg4[%swap3A, %swap3A_26], %max3A_25 {strides = array<i32>} : memref<64x8732xf32, #tpu.memory_space<vmem>>, vector<1x8732xf32>,
    %jit3A_28 = arith.constant 1.000000e+00 : f32
    %jit3A_29 = arith.constant 0.000000e+00 : f32
    %broadcast_in_dim3A_30 = vector.broadcast %jit3A_28 : f32 to vector<1x8732xf32>
    %broadcast_in_dim3A_31 = vector.broadcast %jit3A_29 : f32 to vector<1x8732xf32>
    %select_n3A_32 = arith.select %gt3A_20, %broadcast_in_dim3A_30, %broadcast_in_dim3A_31 : vector<1x8732xi1>, vector<1x8732xf32>
    %reduce_sum3A_33 = vector.shape_cast %select_n3A_32 : vector<1x8732xf32> to vector<1x1x8732xf32>
    %reduce_sum3A_34 = arith.constant dense<0.000000e+00> : vector<1xf32>
    %reduce_sum3A_35 = vector.multi_reduction <add>, %reduce_sum3A_33, %reduce_sum3A_34 [1, 2] : vector<1x1x8732xf32> to vector<1xf32>
    %reduce_sum3A_36 = vector.shape_cast %reduce_sum3A_35 : vector<1xf32> to vector<1x1x1xf32>
    %reduce_sum3A_37 = vector.extract %reduce_sum3A_36[0, 0, 0] : f32 from vector<1x1x1xf32>
    %jit3A_38 = arith.constant 0.000000e+00 : f32
    %broadcast_in_dim3A_39 = vector.broadcast %jit3A_38 : f32 to vector<1x8732xf32>
    %select_n3A_40 = arith.select %gt3A_20, %sub3A_18, %broadcast_in_dim3A_39 : vector<1x8732xi1>, vector<1x8732xf32>
    %reduce_sum3A_41 = vector.shape_cast %select_n3A_40 : vector<1x8732xf32> to vector<1x1x8732xf32>
    %reduce_sum3A_42 = arith.constant dense<0.000000e+00> : vector<1xf32>
    %reduce_sum3A_43 = vector.multi_reduction <add>, %reduce_sum3A_41, %reduce_sum3A_42 [1, 2] : vector<1x1x8732xf32> to vector<1xf32>
    %reduce_sum3A_44 = vector.shape_cast %reduce_sum3A_43 : vector<1xf32> to vector<1x1x1xf32>
    %reduce_sum3A_45 = vector.extract %reduce_sum3A_44[0, 0, 0] : f32 from vector<1x1x1xf32>
    %iota3A_46 = tpu.iota {dimensions = array<i32: 1>} : vector<1x128xi32>
    %eq3A_47 = arith.constant 0 : i32
    %eq3A_48 = vector.broadcast %eq3A_47 : i32 to vector<1x128xi32>
    %eq3A_49 = arith.cmpi eq, %iota3A_46, %eq3A_48 : vector<1x128xi32>
    %eq3A_50 = arith.constant 1 : i32
    %eq3A_51 = vector.broadcast %eq3A_50 : i32 to vector<1x128xi32>
    %eq3A_52 = arith.cmpi eq, %iota3A_46, %eq3A_51 : vector<1x128xi32>
    %jit3A_53 = arith.constant 0.000000e+00 : f32
    %broadcast_in_dim3A_54 = vector.broadcast %reduce_sum3A_45 : f32 to vector<1x128xf32>
    %broadcast_in_dim3A_55 = vector.broadcast %jit3A_53 : f32 to vector<1x128xf32>
    %select_n3A_56 = arith.select %eq3A_52, %broadcast_in_dim3A_54, %broadcast_in_dim3A_55 : vector<1x128xi1>, vector<1x128xf32>
    %broadcast_in_dim3A_57 = vector.broadcast %reduce_sum3A_37 : f32 to vector<1x128xf32>
    %select_n3A_58 = arith.select %eq3A_49, %broadcast_in_dim3A_57, %select_n3A_56 : vector<1x128xi1>, vector<1x128xf32>
    %swap3A_59 = arith.index_cast %arg0 : i32 to index
    %swap3A_60 = arith.constant 0 : index
    %swap3A_61 = vector.load %arg5[%swap3A_59, %swap3A_60] : memref<64x128xf32, #tpu.memory_space<vmem>>, vector<1x128xf32>
    tpu.vector_store %arg5[%swap3A_59, %swap3A_60], %select_n3A_58 {strides = array<i32>} : memref<64x128xf32, #tpu.memory_space<vmem>>, vector<1x128xf32>,
    %eq3A_62 = arith.constant 63 : i32
    %eq3A_63 = arith.cmpi eq, %arg0, %eq3A_62 : i32
    %convert_element_type3A = arith.extui %eq3A_63 : i1 to i32
    %cond3A = arith.constant 0 : i32
    %cond3A_64 = arith.cmpi ne, %convert_element_type3A, %cond3A : i32
    scf.if %cond3A_64 {
      %get3A_65 = arith.constant 0 : index
      %get3A_66 = arith.constant 0 : index
      %get3A_67 = vector.load %arg4[%get3A_65, %get3A_66] : memref<64x8732xf32, #tpu.memory_space<vmem>>, vector<64x8732xf32>
      %get3A_68 = arith.constant 0 : index
      %get3A_69 = arith.constant 0 : index
      %get3A_70 = vector.load %arg5[%get3A_68, %get3A_69] : memref<64x128xf32, #tpu.memory_space<vmem>>, vector<64x128xf32>
      %slice3A = vector.extract_strided_slice %get3A_70 {offsets = [0, 0], sizes = [64, 1], strides = [1, 1]} : vector<64x128xf32> to vector<64x1xf32>
      %sub3A_71 = arith.constant 8.732000e+03 : f32
      %sub3A_72 = vector.broadcast %sub3A_71 : f32 to vector<64x1xf32>
      %sub3A_73 = arith.subf %sub3A_72, %slice3A : vector<64x1xf32>
      %mul3A = arith.constant 3.000000e+00 : f32
      %mul3A_74 = vector.broadcast %mul3A : f32 to vector<64x1xf32>
      %mul3A_75 = arith.mulf %mul3A_74, %slice3A : vector<64x1xf32>
      %min3A = arith.minimumf %mul3A_75, %sub3A_73 : vector<64x1xf32>
      %slice3A_76 = vector.extract_strided_slice %get3A_70 {offsets = [0, 1], sizes = [64, 1], strides = [1, 1]} : vector<64x128xf32> to vector<64x1xf32>
      %reduce_sum3A_77 = vector.shape_cast %slice3A_76 : vector<64x1xf32> to vector<1x64x1xf32>
      %reduce_sum3A_78 = arith.constant dense<0.000000e+00> : vector<1xf32>
      %reduce_sum3A_79 = vector.multi_reduction <add>, %reduce_sum3A_77, %reduce_sum3A_78 [1, 2] : vector<1x64x1xf32> to vector<1xf32>
      %reduce_sum3A_80 = vector.shape_cast %reduce_sum3A_79 : vector<1xf32> to vector<1x1x1xf32>
      %reduce_sum3A_81 = vector.extract %reduce_sum3A_80[0, 0, 0] : f32 from vector<1x1x1xf32>
      %reduce_sum3A_82 = vector.shape_cast %slice3A : vector<64x1xf32> to vector<1x64x1xf32>
      %reduce_sum3A_83 = arith.constant dense<0.000000e+00> : vector<1xf32>
      %reduce_sum3A_84 = vector.multi_reduction <add>, %reduce_sum3A_82, %reduce_sum3A_83 [1, 2] : vector<1x64x1xf32> to vector<1xf32>
      %reduce_sum3A_85 = vector.shape_cast %reduce_sum3A_84 : vector<1xf32> to vector<1x1x1xf32>
      %reduce_sum3A_86 = vector.extract %reduce_sum3A_85[0, 0, 0] : f32 from vector<1x1x1xf32>
      %max3A_87 = arith.constant 1.000000e+00 : f32
      %max3A_88 = arith.maximumf %reduce_sum3A_86, %max3A_87 : f32
      %reduce_sum3A_89 = arith.constant dense<0.000000e+00> : vector<64xf32>
      %reduce_sum3A_90 = vector.multi_reduction <add>, %get3A_67, %reduce_sum3A_89 [1] : vector<64x8732xf32> to vector<64xf32>
      %broadcast_in_dim3A_91 = vector.shape_cast %reduce_sum3A_90 : vector<64xf32> to vector<64x1xf32>
      %ge3A = arith.cmpf oge, %min3A, %sub3A_73 : vector<64x1xf32>
      %le3A = arith.constant 0.000000e+00 : f32
      %le3A_92 = vector.broadcast %le3A : f32 to vector<64x1xf32>
      %le3A_93 = arith.cmpf ole, %min3A, %le3A_92 : vector<64x1xf32>
      %or3A = arith.ori %ge3A, %le3A_93 : vector<64x1xi1>
      %reduce_and3A = arith.constant 1.000000e+00 : f32
      %reduce_and3A_94 = arith.constant 0.000000e+00 : f32
      %reduce_and3A_95 = vector.broadcast %reduce_and3A : f32 to vector<64x1xf32>
      %reduce_and3A_96 = vector.broadcast %reduce_and3A_94 : f32 to vector<64x1xf32>
      %reduce_and3A_97 = arith.select %or3A, %reduce_and3A_95, %reduce_and3A_96 : vector<64x1xi1>, vector<64x1xf32>
      %reduce_and3A_98 = vector.shape_cast %reduce_and3A_97 : vector<64x1xf32> to vector<1x64x1xf32>
      %reduce_and3A_99 = arith.constant dense<0x7F800000> : vector<1xf32>
      %reduce_and3A_100 = vector.multi_reduction <minimumf>, %reduce_and3A_98, %reduce_and3A_99 [1, 2] : vector<1x64x1xf32> to vector<1xf32>
      %reduce_and3A_101 = vector.shape_cast %reduce_and3A_100 : vector<1xf32> to vector<1x1x1xf32>
      %reduce_and3A_102 = vector.extract %reduce_and3A_101[0, 0, 0] : f32 from vector<1x1x1xf32>
      %reduce_and3A_103 = arith.constant 0.000000e+00 : f32
      %reduce_and3A_104 = arith.cmpf ogt, %reduce_and3A_102, %reduce_and3A_103 : f32
      %iota3A_105 = tpu.iota {dimensions = array<i32: 1>} : vector<1x2xi32>
      %convert_element_type3A_106 = arith.extui %reduce_and3A_104 : i1 to i32
      %cond3A_107 = arith.constant 0 : i32
      %cond3A_108 = arith.cmpi ne, %convert_element_type3A_106, %cond3A_107 : i32
      scf.if %cond3A_108 {
        %gt3A_113 = arith.constant 0.000000e+00 : f32
        %gt3A_114 = vector.broadcast %gt3A_113 : f32 to vector<64x1xf32>
        %gt3A_115 = arith.cmpf ogt, %min3A, %gt3A_114 : vector<64x1xf32>
        %jit3A_116 = arith.constant 0.000000e+00 : f32
        %broadcast_in_dim3A_117 = vector.broadcast %jit3A_116 : f32 to vector<64x1xf32>
        %select_n3A_118 = arith.select %gt3A_115, %broadcast_in_dim3A_91, %broadcast_in_dim3A_117 : vector<64x1xi1>, vector<64x1xf32>
        %reduce_sum3A_119 = vector.shape_cast %select_n3A_118 : vector<64x1xf32> to vector<1x64x1xf32>
        %reduce_sum3A_120 = arith.constant dense<0.000000e+00> : vector<1xf32>
        %reduce_sum3A_121 = vector.multi_reduction <add>, %reduce_sum3A_119, %reduce_sum3A_120 [1, 2] : vector<1x64x1xf32> to vector<1xf32>
        %reduce_sum3A_122 = vector.shape_cast %reduce_sum3A_121 : vector<1xf32> to vector<1x1x1xf32>
        %reduce_sum3A_123 = vector.extract %reduce_sum3A_122[0, 0, 0] : f32 from vector<1x1x1xf32>
        %eq3A_124 = arith.constant 0 : i32
        %eq3A_125 = vector.broadcast %eq3A_124 : i32 to vector<1x2xi32>
        %eq3A_126 = arith.cmpi eq, %iota3A_105, %eq3A_125 : vector<1x2xi32>
        %add3A_127 = arith.addf %reduce_sum3A_81, %reduce_sum3A_123 : f32
        %broadcast_in_dim3A_128 = vector.broadcast %add3A_127 : f32 to vector<1x2xf32>
        %broadcast_in_dim3A_129 = vector.broadcast %max3A_88 : f32 to vector<1x2xf32>
        %select_n3A_130 = arith.select %eq3A_126, %broadcast_in_dim3A_128, %broadcast_in_dim3A_129 : vector<1x2xi1>, vector<1x2xf32>
        %swap3A_131 = arith.constant 0 : index
        %swap3A_132 = arith.constant 0 : index
        %swap3A_133 = vector.load %arg3[%swap3A_131, %swap3A_132] : memref<1x2xf32, #tpu.memory_space<vmem>>, vector<1x2xf32>
        tpu.vector_store %arg3[%swap3A_131, %swap3A_132], %select_n3A_130 {strides = array<i32>} : memref<1x2xf32, #tpu.memory_space<vmem>>, vector<1x2xf32>,
      } else {
      }
      %not3A = arith.constant true
      %not3A_109 = arith.xori %reduce_and3A_104, %not3A : i1
      %convert_element_type3A_110 = arith.extui %not3A_109 : i1 to i32
      %cond3A_111 = arith.constant 0 : i32
      %cond3A_112 = arith.cmpi ne, %convert_element_type3A_110, %cond3A_111 : i32
      scf.if %cond3A_112 {
        %bitcast_convert_type3A = tpu.bitcast %get3A_67 : vector<64x8732xf32> -> vector<64x8732xi32>
        %broadcast_in_dim3A_113 = arith.constant 0 : i32
        %broadcast_in_dim3A_114 = vector.broadcast %broadcast_in_dim3A_113 : i32 to vector<64x1xi32>
        %broadcast_in_dim3A_115 = arith.constant 2139095040 : i32
        %broadcast_in_dim3A_116 = vector.broadcast %broadcast_in_dim3A_115 : i32 to vector<64x1xi32>
        %scan3A = arith.constant 0 : i32
        %scan3A_117 = arith.constant 31 : i32
        %scan3A_118 = arith.addi %scan3A, %scan3A_117 : i32
        %scan3A_119 = arith.constant 1 : i32
        %scan3A_120:2 = scf.for %scan3A_162 = %scan3A to %scan3A_118 step %scan3A_119 iter_args(%scan3A_163 = %broadcast_in_dim3A_114, %scan3A_164 = %broadcast_in_dim3A_116) -> (vector<64x1xi32>, vector<64x1xi32>)  : i32 {
          %sub3A_165 = arith.subi %scan3A_164, %scan3A_163 : vector<64x1xi32>
          %shift_right_logical3A = arith.constant 1 : i32
          %shift_right_logical3A_166 = vector.broadcast %shift_right_logical3A : i32 to vector<64x1xi32>
          %shift_right_logical3A_167 = arith.shrui %sub3A_165, %shift_right_logical3A_166 : vector<64x1xi32>
          %add3A_168 = arith.addi %scan3A_163, %shift_right_logical3A_167 : vector<64x1xi32>
          %ge3A_169 = vector.broadcast %add3A_168 : vector<64x1xi32> to vector<64x8732xi32>
          %ge3A_170 = arith.cmpi sge, %bitcast_convert_type3A, %ge3A_169 : vector<64x8732xi32>
          %jit3A_171 = arith.constant 1.000000e+00 : f32
          %jit3A_172 = arith.constant 0.000000e+00 : f32
          %broadcast_in_dim3A_173 = vector.broadcast %jit3A_171 : f32 to vector<64x8732xf32>
          %broadcast_in_dim3A_174 = vector.broadcast %jit3A_172 : f32 to vector<64x8732xf32>
          %select_n3A_175 = arith.select %ge3A_170, %broadcast_in_dim3A_173, %broadcast_in_dim3A_174 : vector<64x8732xi1>, vector<64x8732xf32>
          %reduce_sum3A_176 = arith.constant dense<0.000000e+00> : vector<64xf32>
          %reduce_sum3A_177 = vector.multi_reduction <add>, %select_n3A_175, %reduce_sum3A_176 [1] : vector<64x8732xf32> to vector<64xf32>
          %broadcast_in_dim3A_178 = vector.shape_cast %reduce_sum3A_177 : vector<64xf32> to vector<64x1xf32>
          %ge3A_179 = arith.cmpf oge, %broadcast_in_dim3A_178, %min3A : vector<64x1xf32>
          %select_n3A_180 = arith.select %ge3A_179, %add3A_168, %scan3A_163 : vector<64x1xi1>, vector<64x1xi32>
          %select_n3A_181 = arith.select %ge3A_179, %scan3A_164, %add3A_168 : vector<64x1xi1>, vector<64x1xi32>
          scf.yield %select_n3A_180, %select_n3A_181 : vector<64x1xi32>, vector<64x1xi32>
        }
        %bitcast_convert_type3A_121 = tpu.bitcast %scan3A_120#0 : vector<64x1xi32> -> vector<64x1xf32>
        %gt3A_122 = vector.broadcast %bitcast_convert_type3A_121 : vector<64x1xf32> to vector<64x8732xf32>
        %gt3A_123 = arith.cmpf ogt, %get3A_67, %gt3A_122 : vector<64x8732xf32>
        %jit3A_124 = arith.constant 1.000000e+00 : f32
        %jit3A_125 = arith.constant 0.000000e+00 : f32
        %broadcast_in_dim3A_126 = vector.broadcast %jit3A_124 : f32 to vector<64x8732xf32>
        %broadcast_in_dim3A_127 = vector.broadcast %jit3A_125 : f32 to vector<64x8732xf32>
        %select_n3A_128 = arith.select %gt3A_123, %broadcast_in_dim3A_126, %broadcast_in_dim3A_127 : vector<64x8732xi1>, vector<64x8732xf32>
        %reduce_sum3A_129 = arith.constant dense<0.000000e+00> : vector<64xf32>
        %reduce_sum3A_130 = vector.multi_reduction <add>, %select_n3A_128, %reduce_sum3A_129 [1] : vector<64x8732xf32> to vector<64xf32>
        %broadcast_in_dim3A_131 = vector.shape_cast %reduce_sum3A_130 : vector<64xf32> to vector<64x1xf32>
        %jit3A_132 = arith.constant 0.000000e+00 : f32
        %broadcast_in_dim3A_133 = vector.broadcast %jit3A_132 : f32 to vector<64x8732xf32>
        %select_n3A_134 = arith.select %gt3A_123, %get3A_67, %broadcast_in_dim3A_133 : vector<64x8732xi1>, vector<64x8732xf32>
        %reduce_sum3A_135 = arith.constant dense<0.000000e+00> : vector<64xf32>
        %reduce_sum3A_136 = vector.multi_reduction <add>, %select_n3A_134, %reduce_sum3A_135 [1] : vector<64x8732xf32> to vector<64xf32>
        %broadcast_in_dim3A_137 = vector.shape_cast %reduce_sum3A_136 : vector<64xf32> to vector<64x1xf32>
        %sub3A_138 = arith.subf %min3A, %broadcast_in_dim3A_131 : vector<64x1xf32>
        %mul3A_139 = arith.mulf %sub3A_138, %bitcast_convert_type3A_121 : vector<64x1xf32>
        %add3A_140 = arith.addf %broadcast_in_dim3A_137, %mul3A_139 : vector<64x1xf32>
        %gt3A_141 = arith.constant 0.000000e+00 : f32
        %gt3A_142 = vector.broadcast %gt3A_141 : f32 to vector<64x1xf32>
        %gt3A_143 = arith.cmpf ogt, %min3A, %gt3A_142 : vector<64x1xf32>
        %jit3A_144 = arith.constant 0.000000e+00 : f32
        %broadcast_in_dim3A_145 = vector.broadcast %jit3A_144 : f32 to vector<64x1xf32>
        %select_n3A_146 = arith.select %gt3A_143, %add3A_140, %broadcast_in_dim3A_145 : vector<64x1xi1>, vector<64x1xf32>
        %reduce_sum3A_147 = vector.shape_cast %select_n3A_146 : vector<64x1xf32> to vector<1x64x1xf32>
        %reduce_sum3A_148 = arith.constant dense<0.000000e+00> : vector<1xf32>
        %reduce_sum3A_149 = vector.multi_reduction <add>, %reduce_sum3A_147, %reduce_sum3A_148 [1, 2] : vector<1x64x1xf32> to vector<1xf32>
        %reduce_sum3A_150 = vector.shape_cast %reduce_sum3A_149 : vector<1xf32> to vector<1x1x1xf32>
        %reduce_sum3A_151 = vector.extract %reduce_sum3A_150[0, 0, 0] : f32 from vector<1x1x1xf32>
        %eq3A_152 = arith.constant 0 : i32
        %eq3A_153 = vector.broadcast %eq3A_152 : i32 to vector<1x2xi32>
        %eq3A_154 = arith.cmpi eq, %iota3A_105, %eq3A_153 : vector<1x2xi32>
        %add3A_155 = arith.addf %reduce_sum3A_81, %reduce_sum3A_151 : f32
        %broadcast_in_dim3A_156 = vector.broadcast %add3A_155 : f32 to vector<1x2xf32>
        %broadcast_in_dim3A_157 = vector.broadcast %max3A_88 : f32 to vector<1x2xf32>
        %select_n3A_158 = arith.select %eq3A_154, %broadcast_in_dim3A_156, %broadcast_in_dim3A_157 : vector<1x2xi1>, vector<1x2xf32>
        %swap3A_159 = arith.constant 0 : index
        %swap3A_160 = arith.constant 0 : index
        %swap3A_161 = vector.load %arg3[%swap3A_159, %swap3A_160] : memref<1x2xf32, #tpu.memory_space<vmem>>, vector<1x2xf32>
        tpu.vector_store %arg3[%swap3A_159, %swap3A_160], %select_n3A_158 {strides = array<i32>} : memref<1x2xf32, #tpu.memory_space<vmem>>, vector<1x2xf32>,
      } else {
      }
    } else {
    }
    return
  }
  func.func @transform_0(%arg0: i32) -> (i32, i32, i32) {
    %c0_i32 = arith.constant 0 : i32
    %c0_i32_0 = arith.constant 0 : i32
    %c0_i32_1 = arith.constant 0 : i32
    return %arg0, %c0_i32, %c0_i32_0 : i32, i32, i32
  }
  func.func @transform_1(%arg0: i32) -> (i32, i32, i32) {
    %c0_i32 = arith.constant 0 : i32
    %c0_i32_0 = arith.constant 0 : i32
    %c0_i32_1 = arith.constant 0 : i32
    return %arg0, %c0_i32, %c0_i32_0 : i32, i32, i32
  }
  func.func @transform_2(%arg0: i32) -> (i32, i32) {
    %c0_i32 = arith.constant 0 : i32
    %c0_i32_0 = arith.constant 0 : i32
    %c0_i32_1 = arith.constant 0 : i32
    return %c0_i32, %c0_i32_0 : i32, i32
  }
}

</mosaic_0001>

<sc_bundles>
// kernel: kernel.4.cloned.1.call-start
scs
__scs_entry_jumppad:
0x0: {  	(pc) =	sbr.rel $0x88, $3  }
0x1: {  	(tag) =	ssettag $0x0;
	lr =	simm.s32 $0x1  }
0x2: {  	[smem:$0x3F9D] =	sst lr;
	_ =	strace $0xD0000000  }
0x3: {  	_ = 	snop  }
0x4: {  	_ = 	snop  }
0x5: {  	_ = 	snop  }
0x6: {  	_ = 	snop  }
0x7: {  	_ = 	snop  }
__scs_overlays_trampoline_lowered:
0x8: {  	[smem:$0x3FAC] =	sst s0  }
0x9: {  	[smem:$0x3FAD] =	sst s1  }
0xa: {  	[smem:$0x3FAE] =	sst s2  }
0xb: {  	[smem:$0x3FAF] =	sst s3  }
0xc: {  	[smem:$0x3FB0] =	sst s4  }
0xd: {  	[smem:$0x3FB1] =	sst s5  }
0xe: {  	[smem:$0x3FB2] =	sst s6  }
0xf: {  	[smem:$0x3FB3] =	sst s7  }
0x10: {  	[smem:$0x3FB4] =	sst s8  }
0x11: {  	[smem:$0x3FB5] =	sst s9;
	s0 =	simm.s32 @!p0 $0x0  }
0x12: {  	s1 =	sld [smem:$0x3F9B];
	s0 =	simm.s32 @p0 $0x1  }
0x13: {  	[smem:$0x3FB6] =	sst s0;
	s0 =	simm.s32 @!p1 $0x0  }
0x14: {  	s2 =	sld [smem:$0x3F9A];
	s0 =	simm.s32 @p1 $0x1  }
0x15: {  	[smem:$0x3FB7] =	sst s0;
	s0 =	simm.s32 @!p2 $0x0  }
0x16: {  	s3 =	sld [smem:$0x3FDB];
	s0 =	simm.s32 @p2 $0x1  }
0x17: {  	s4 =	simm.s32 $0x1BF5;
	[smem:$0x3FB9] =	sst s0  }
0x18: {  	s0 =	sld [smem:$0x3F9C];
	_ =	swait.ge [sflag:s4], $0x0  }
0x19: {  	s7 =	sld [smem:$0x3F9D]  }
0x1a: {  	s8 =	sadd.s32 $0xFFFFE003, lr  }
0x1b: {  	s9 =	sadd.s32 $0xFFFFFEF7, lr;
	s5 =	simm.s32 $0xFFFFFFFF;
	p2 =	slt.u32 s8, $0xFFFFF086  }
0x1c: {  	p1 =	slt.u32 s9, $0xF7A;
	s5 =	simm.s32 @!p2 $0x0  }
0x1d: {  	s5 =	simm.s32 @p1 $0x1;
	p0 =	seq.s32 s7, s2  }
0x1e: {  	s7 =	smul.u32 @!p0 $0xF7A, s2;
	p2 =	seq.s32 @!p0 s5, $0x0  }
0x1f: {  	s9 =	smul.u32 $0xF7A, s1;
	s8 =	simm.s32 @!p0 $0x1BF5;
	p2 =	por !p2, p0  }
0x20: {  	[sflag:s8] =	ssyncset.s32 @!p0 $0xFFFFF086;
	s6 =	sadd.s32 @!p0 s3, s7;
	s7 =	simm.s32 @!p0 $0x108  }
0x21: {  	s3 =	sadd.s32 s3, s9;
	s6 =	sadd.s32 @!p0 $0x88, s6;
	s7 =	simm.s32 @p2 $0x1082  }
0x22: {  	[simem:s7], [sflag:s8] =	dma.local @!p0 [hbm:s6], $0xF7A  }
0x23: {  	s9 =	sor.u32 $0xD0000000, s2;
	s6 =	simm.s32 $0x108;
	_ =	swait.ge @!p0 [sflag:s8], $0x0  }
0x24: {  	s3 =	sadd.s32 $0x88, s3;
	s6 =	simm.s32 @!p1 $0x1082;
	[sflag:s4] =	ssyncset.s32 $0xFFFFF086  }
0x25: {  	[simem:s6], [sflag:s4] =	dma.local [hbm:s3], $0xF7A  }
0x26: {  	[smem:$0x3F9D] =	sst s1;
	(tag) =	ssettag s2;
	_ =	strace s9  }
0x27: {  	s1 =	sld [smem:$0x3FAD]  }
0x28: {  	s2 =	sld [smem:$0x3FAE]  }
0x29: {  	s4 =	sld [smem:$0x3FB0]  }
0x2a: {  	p0 =	seq.s32 s5, $0x0;
	s5 =	sld [smem:$0x3FB1]  }
0x2b: {  	s6 =	sld [smem:$0x3FB2]  }
0x2c: {  	s7 =	sld [smem:$0x3FB3]  }
0x2d: {  	s3 =	simm.s32 $0x108;
	s8 =	sld [smem:$0x3FB4]  }
0x2e: {  	s3 =	simm.s32 @!p0 $0x1082;
	s9 =	sld [smem:$0x3FB5]  }
0x2f: {  	lr =	sadd.s32 s0, s3;
	s0 =	sld [smem:$0x3FAC]  }
0x30: {  	s3 =	sld [smem:$0x3FAF]  }
0x31: {  	[smem:$0x3FB8] =	sst s10  }
0x32: {  	s10 =	sld [smem:$0x3FB6];
	_ =	sdelay $0x3  }
0x33: {  	p0 =	seq.s32 s10, $0x1;
	s10 =	sld [smem:$0x3FB8];
	_ =	sdelay $0x3  }
0x34: {  	[smem:$0x3FB8] =	sst s10  }
0x35: {  	s10 =	sld [smem:$0x3FB7];
	_ =	sdelay $0x3  }
0x36: {  	p1 =	seq.s32 s10, $0x1;
	s10 =	sld [smem:$0x3FB8];
	_ =	sdelay $0x3  }
0x37: {  	[smem:$0x3FB8] =	sst s10  }
0x38: {  	s10 =	sld [smem:$0x3FB9]  }
0x39: {  	_ = 	snop;
	(pc) =	sbr.ind lr, $3  }
0x3a: {  	_ = 	snop  }
0x3b: {  	_ = 	snop  }
0x3c: {  	p2 =	seq.s32 s10, $0x1;
	s10 =	sld [smem:$0x3FB8]  }
0x3d: {  	_ =	shalt  }
0x3e: {  	_ =	shalt  }
0x3f: {  	_ =	shalt  }
0x40: {  	_ =	shalt  }
0x41: {  	_ =	shalt  }
0x42: {  	_ =	shalt  }
0x43: {  	_ =	shalt  }
0x44: {  	_ =	shalt  }
0x45: {  	_ =	shalt  }
0x46: {  	_ =	shalt  }
0x47: {  	_ =	shalt  }
0x48: {  	_ =	shalt  }
0x49: {  	_ =	shalt  }
0x4a: {  	_ =	shalt  }
0x4b: {  	_ =	shalt  }
0x4c: {  	_ =	shalt  }
0x4d: {  	_ =	shalt  }
0x4e: {  	_ =	shalt  }
0x4f: {  	_ =	shalt  }
0x50: {  	_ =	shalt  }
0x51: {  	_ =	shalt  }
0x52: {  	_ =	shalt  }
0x53: {  	_ =	shalt  }
0x54: {  	_ =	shalt  }
0x55: {  	_ =	shalt  }
0x56: {  	_ =	shalt  }
0x57: {  	_ =	shalt  }
0x58: {  	_ =	shalt  }
0x59: {  	_ =	shalt  }
0x5a: {  	_ =	shalt  }
0x5b: {  	_ =	shalt  }
0x5c: {  	_ =	shalt  }
0x5d: {  	_ =	shalt  }
0x5e: {  	_ =	shalt  }
0x5f: {  	_ =	shalt  }
0x60: {  	_ =	shalt  }
0x61: {  	_ =	shalt  }
0x62: {  	_ =	shalt  }
0x63: {  	_ =	shalt  }
0x64: {  	_ =	shalt  }
0x65: {  	_ =	shalt  }
0x66: {  	_ =	shalt  }
0x67: {  	_ =	shalt  }
0x68: {  	_ =	shalt  }
0x69: {  	_ =	shalt  }
0x6a: {  	_ =	shalt  }
0x6b: {  	_ =	shalt  }
0x6c: {  	_ =	shalt  }
0x6d: {  	_ =	shalt  }
0x6e: {  	_ =	shalt  }
0x6f: {  	_ =	shalt  }
0x70: {  	_ =	shalt  }
0x71: {  	_ =	shalt  }
0x72: {  	_ =	shalt  }
0x73: {  	_ =	shalt  }
0x74: {  	_ =	shalt  }
0x75: {  	_ =	shalt  }
0x76: {  	_ =	shalt  }
0x77: {  	_ =	shalt  }
0x78: {  	_ =	shalt  }
0x79: {  	_ =	shalt  }
0x7a: {  	_ =	shalt  }
0x7b: {  	_ =	shalt  }
0x7c: {  	_ =	shalt  }
0x7d: {  	_ =	shalt  }
0x7e: {  	_ =	shalt  }
0x7f: {  	_ =	shalt  }
0x80: {  	_ =	shalt  }
0x81: {  	_ =	shalt  }
0x82: {  	_ =	shalt  }
0x83: {  	_ =	shalt  }
0x84: {  	_ =	shalt  }
0x85: {  	_ =	shalt  }
0x86: {  	_ =	shalt  }
0x87: {  	_ =	shalt  }
.Lfunc_end0:
.L_simem_size_0:
called_computation_lowered:
.L_overlay_start_0:
0x88: {  	s2 =	sld [smem:$0x3FD9]  }
0x89: {  	s3 =	sld [smem:$0x3FFE];
	_ =	sdelay $0x1  }
0x8a: {  	s1 =	srdreg.scid  }
0x8b: {  	s0 =	sand.u32 $0x1, s1  }
0x8c: {  	s17 =	sshll.u32 s0, $0xA;
	s2 =	sadd.s32 s3, s2  }
0x8d: {  	s2 =	sadd.s32 s2, s17  }
0x8e: {  	[smem:$0x3FC4] =	sst s2  }
0x8f: {  	_ = 	snop  }
0x90: {  	s2 =	sld [smem:$0x3FC6];
	(tm) =	ssettm $0x1  }
0x91: {  	s18 =	sld [smem:$0x3FFB];
	_ =	sdelay $0x3  }
0x92: {  	_ =	strace s18  }
0x93: {  	s3 =	sld [smem:$0x3FFC];
	_ =	sdelay $0x3  }
0x94: {  	_ =	strace s3  }
0x95: {  	s3 =	sld [smem:$0x3FFD];
	_ =	sdelay $0x3  }
0x96: {  	_ =	strace s3  }
0x97: {  	_ =	strace $0x8FFFFFFF  }
0x98: {  	s19 =	sld [smem:$0x3FDB];
	_ =	sdelay $0x1  }
0x99: {  	s4 =	simm.s32 $_scs_section_size  }
0x9a: {  	s5 =	simm.s32 $_size__tile_overlayer_lowered;
	s6 =	simm.s32 $_tile_overlayer_lowered  }
0x9b: {  	s22 =	simm.s32 $0x1BFF;
	s21 =	sshll.u32 s6, $0x1;
	s3 =	sadd.s32 s4, s19  }
0x9c: {  	s7 =	simm.s32 $0x0;
	s20 =	sshll.u32 s5, $0x1;
	s5 =	sadd.s32 s21, s3  }
0x9d: {  	[timem:s7], [sflag:s22] =	dma.local [hbm:s5], s20  }
0x9e: {  	_ =	swait.ge [sflag:s22], s20  }
0x9f: {  	s4 =	ssub.s32 $0x0, s20;
	[sflag:s22] =	ssyncset.done $0x0  }
0xa0: {  	[sflag:s22] =	ssyncadd.s32 s4;
	_ =	sdelay $0x1  }
0xa1: {  	s23 =	simm.s32 $0x1B8B  }
0xa2: {  	_ =	swait.ge [sflag:s23], $0x1  }
0xa3: {  	[sflag:s23] =	ssyncset.done $0x0  }
0xa4: {  	s25 =	simm.s32 $0x1B8E;
	s24 =	sld [smem:$0x3FFE];
	[sflag:s23] =	ssyncadd.s32 $0xFFFFFFFF  }
0xa5: {  	s26 =	simm.s32 $execute0_lowered;
	[smem:$0x3FD2] =	sst s25  }
0xa6: {  	s5 =	sshll.u32 s26, $0x1;
	_ =	strace $0x80000046;
	[dreg:$0x1] =	wrdreg $0xFFFFFFFF  }
0xa7: {  	s28 =	simm.s32 $_size_execute0_lowered;
	s3 =	sadd.s32 s3, s5;
	[dreg:$0x0] =	wrdreg $0x0  }
0xa8: {  	s5 =	sshll.u32 s28, $0x1;
	[dreg:$0x2] =	wrdreg s3  }
0xa9: {  	[dreg:$0x3] =	wrdreg s5  }
0xaa: {  	[dreg:$0x4] =	wrdreg $0xC0  }
0xab: {  	_ =	task [dreg:s7], $0x5FFFF  }
0xac: {  	[dreg:$0x1] =	wrdreg $0xFFFFFFFF  }
0xad: {  	[dreg:$0x0] =	wrdreg $0x60  }
0xae: {  	[dreg:$0x2] =	wrdreg s24  }
0xaf: {  	[dreg:$0x3] =	wrdreg s2  }
0xb0: {  	[dreg:$0x4] =	wrdreg $0x9  }
0xb1: {  	_ =	task.clear_ibuf [dreg:s7], $0x5FFFF;
	_ =	strace $0x90000046  }
0xb2: {  	s29 =	simm.s32 $0x9;
	_ =	strace $0x80000048  }
0xb3: {  	_ =	swait.ge [sflag:s29], $0x1  }
0xb4: {  	[sflag:s29] =	ssyncadd.s32 $0xFFFFFFFF  }
0xb5: {  	_ =	strace $0x90000048  }
0xb6: {  	_ =	sfence  }
0xb7: {  	s30 =	sld [smem:$0x0];
	_ =	sdelay $0x2  }
0xb8: {  	s31 =	sshll.u32 s1, $0xD;
	s1 =	sshrl.u32 s1, $0x2  }
0xb9: {  	s3 =	sand.u32 $0x4000, s31;
	s1 =	sadd.s32 s1, s30  }
0xba: {  	s0 =	sor.u32 s3, s0;
	s1 =	sshll.u32 s1, $0x11  }
0xbb: {  	s0 =	sor.u32 s1, s0  }
0xbc: {  	s0 =	sadd.s32 $0x8F2B, s0  }
0xbd: {  	[sflag:s0] =	ssyncadd.remote.s32 $0x1  }
0xbe: {  	_ =	sfence.sel $0xFFFF  }
0xbf: {  	[dreg:$0x0] =	wrdreg $0xFFFFFFFF;
	(pc) =	sbr.abs _section_cstart, $3  }
0xc0: {  	[dreg:$0x1] =	wrdreg $0xFFFFFFFF  }
0xc1: {  	_ =	task.clear_ibuf [dreg:s7], $0x2FFFF;
	_ =	strace $0x9FFFFFFF  }
0xc2: {  	(tm) =	ssettm $0x7FFFFFFF  }
0xc3: {  	_ =	shalt  }
tec
execute0_lowered:
.L_overlay_start_1:
0x0: {  	(tag) =	ssettag $0x1  }
0x1: {  	s3 =	rddreg [dreg:$0x0]  }
0x2: {  	s8 =	rddreg [dreg:$0x1]  }
0x3: {  	s0 =	rddreg [dreg:$0x2]  }
0x4: {  	s4 =	srdreg.scid;
	s1 =	stileid.u32  }
0x5: {  	s2 =	simm.s32 $0x0;
	s15 =	simm.s32 $0x13380;
	s16 =	simm.s32 $0x2  }
0x6: {  	s17 =	simm.s32 $0x0;
	s4 =	sand.u32 $0x1, s4;
	s5 =	sshll.u32 s1, $0x1  }
0x7: {  	[smem:$0x7FF] =	sst s2;
	s6 =	sshrl.u32 s1, $0x1;
	s10 =	sadd.s32 $0x1000, s3  }
0x8: {  	s11 =	sadd.s32 $0x45400, s3;
	s5 =	sor.u32 s4, s5;
	s9 =	smul.u32 $0x44400, s6  }
0x9: {  	_ =	strace $0x80000047;
	s4 =	ssub.s32 $0x2, s4;
	s6 =	smul.u32 $0x11400, s6  }
0xa: {  	s7 =	sshll.u32 s5, $0x8;
	s5 =	sshll.u32 s5, $0x4;
	s13 =	sshrl.u32 s4, $0x1  }
0xb: {  	s7 =	sand.u32 $0x300, s7;
	s14 =	sadd.s32 s5, s3;
	s13 =	ssub.s32 s4, s13  }
0xc: {  	s12 =	sor.u32 s9, s7;
	s29 =	sor.u32 s6, s7;
	s7 =	sor.u32 $0x80, s7  }
0xd: {  	s12 =	sshrl.u32 s12, $0x3;
	s5 =	sshrl.u32 s29, $0x3;
	s9 =	sor.u32 s9, s7  }
0xe: {  	s6 =	sor.u32 s6, s7;
	s3 =	sadd.s32 s10, s12;
	s4 =	sadd.s32 s11, s12  }
0xf: {  	s5 =	sadd.s32 s8, s5;
	s30 =	sshrl.u32 s9, $0x3;
	s31 =	sshrl.u32 s6, $0x3  }
0x10: {  	s9 =	sadd.s32 $0x89800, s14;
	s12 =	simm.s32 $0x400;
	s14 =	simm.s32 $0x1  }
0x11: {  	s6 =	sadd.s32 s10, s30;
	s7 =	sadd.s32 s11, s30;
	s8 =	sadd.s32 s8, s31  }
0x12: {  	vm0 =	vcmask $0x3F30;
	vm1 =	vcmask $0x3F20;
	vm2 =	vcmask $0x3F10;
	s10 =	smax.u32 s13, $0x1;
	s11 =	simm.s32 $0x80;
	s13 =	simm.s32 $0x8880  }
.LBB2_1:
0x13: {  	[tilespmem:s2], [sflag:$0x1] =	stream.strided.gather [hbm4b:s3+s11], $0x8880, s12, s11, $0x38;
	[tilespmem:$0x13400] =	vst v63  }
0x14: {  	_ = 	snop  }
0x15: {  	[tilespmem:s13], [sflag:$0x1] =	stream.strided.gather [hbm4b:s4+s11], $0x8880, s12, s11, $0x38;
	[tilespmem:$0x13400] =	vst v63  }
0x16: {  	s18 =	simm.s32 $0x11100  }
0x17: {  	[tilespmem:s18], [sflag:$0x1] =	stream.strided.gather [hbm4b:s5+s11], $0x2280, s12, s11, $0x38;
	[tilespmem:$0x13400] =	vst v63  }
0x18: {  	_ =	swait.ge [sflag:s14], $0x8880  }
0x19: {  	[sflag:s14] =	ssyncset.done $0x0  }
0x1a: {  	[sflag:s14] =	ssyncadd.s32 $0xFFFF7780  }
0x1b: {  	_ =	swait.ge [sflag:s14], $0x8880  }
0x1c: {  	[sflag:s14] =	ssyncset.done $0x0  }
0x1d: {  	[sflag:s14] =	ssyncadd.s32 $0xFFFF7780  }
0x1e: {  	_ =	swait.ge [sflag:s14], $0x2280  }
0x1f: {  	[sflag:s14] =	ssyncset.done $0x0  }
0x20: {  	s19 =	simm.s32 $0x0;
	[sflag:s14] =	ssyncadd.s32 $0xFFFFDD80  }
0x21: {  	v4 =	vld [tilespmem:s19+$0x30]  }
0x22: {  	v1 =	vld [tilespmem:s18+$0x0]  }
0x23: {  	v6 =	vld [tilespmem:s19+$0x88B0]  }
0x24: {  	v5 =	vld [tilespmem:s19+$0x20]  }
0x25: {  	v9 =	vld [tilespmem:s19+$0x88A0]  }
0x26: {  	v8 =	vld [tilespmem:s19+$0x10]  }
0x27: {  	v10 =	vld [tilespmem:s19+$0x8890];
	v2 =	vbroadcast v1, $0xC  }
0x28: {  	v11 =	vld [tilespmem:s19+$0x0];
	v3 =	vbroadcast v1, $0x8;
	v7 =	vbroadcast v1, $0xD  }
0x29: {  	v0 =	vimm.f32 $0.0e+00;
	v14 =	vld [tilespmem:s19+$0x8880];
	s19 =	simm.s32 $0x100;
	v12 =	vbroadcast v1, $0xE;
	v13 =	vbroadcast v1, $0xF  }
.LBB2_2:
0x2a: {  	p0 =	sne.s32 s19, $0x22000;
	v15 =	vbroadcast v1, $0x4;
	v16 =	vbroadcast v1, $0x9  }
0x2b: {  	v17 =	vbroadcast v1, $0xA;
	v18 =	vbroadcast v1, $0xB;
	v4 =	vsub.f32 v4, v6  }
0x2c: {  	v6 =	vbroadcast v1, $0x0;
	v19 =	vbroadcast v1, $0x5;
	v5 =	vsub.f32 v5, v9  }
0x2d: {  	v9 =	vbroadcast v1, $0x6;
	v20 =	vbroadcast v1, $0x7;
	v8 =	vsub.f32 v8, v10  }
0x2e: {  	v21 =	vbroadcast v1, $0x3;
	v10 =	vbroadcast v1, $0x2;
	v11 =	vsub.f32 v11, v14  }
0x2f: {  	v12 =	vsel vm0, v13, v12;
	v1 =	vbroadcast v1, $0x1;
	v14 =	vsel vm0, v18, v17  }
0x30: {  	v9 =	vsel vm0, v20, v9;
	v7 =	vsel vm1, v12, v7;
	v10 =	vsel vm0, v21, v10  }
0x31: {  	v9 =	vsel vm1, v9, v19;
	v1 =	vsel vm1, v10, v1;
	v10 =	vsel vm1, v14, v16  }
0x32: {  	v2 =	vsel vm2, v7, v2;
	v1 =	vsel vm2, v1, v6;
	v3 =	vsel vm2, v10, v3  }
0x33: {  	vm4 =	vgt.s32 v2, $0x0;
	vm3 =	vgt.s32 v1, $0x0;
	v1 =	vsel vm2, v9, v15  }
0x34: {  	vm5 =	vgt.s32 v3, $0x0;
	v2 =	vnsel vm3, $0x0, v11;
	vm3 =	vgt.s32 v1, $0x0  }
0x35: {  	v7 =	vnsel vm4, $0x0, v4;
	v3 =	vnsel vm5, $0x0, v5;
	v1 =	vmul.f32 $5.000000000e-01, v2  }
0x36: {  	v10 =	vmul.f32 $5.000000000e-01, v7;
	v5 =	vand.u32 $0x7FFFFFFF, v2;
	v6 =	vnsel vm3, $0x0, v8  }
0x37: {  	s20 =	sshra.s32 s19, $0x2;
	v8 =	vadd.f32 $-5.000000000e-01, v5;
	v9 =	vmul.f32 $5.000000000e-01, v6;
	v2 =	vmul.f32 v1, v2  }
0x38: {  	s18 =	sadd.s32 $0x10, s18;
	v11 =	vmul.f32 $5.000000000e-01, v3;
	vm3 =	vlt.f32 v5, $1.000000000e+00;
	v5 =	vand.u32 $0x7FFFFFFF, v6;
	v4 =	vld [tilespmem:s20+$0x30]  }
0x39: {  	v2 =	vsel vm3, v2, v8;
	v8 =	vmul.f32 v9, v6;
	v9 =	vadd.f32 $-5.000000000e-01, v5;
	v1 =	vld [tilespmem:s18+$0x0]  }
0x3a: {  	vm3 =	vlt.f32 v5, $1.000000000e+00;
	v0 =	vadd.f32 v2, v0;
	v2 =	vand.u32 $0x7FFFFFFF, v3;
	v6 =	vld [tilespmem:s20+$0x88B0]  }
0x3b: {  	v3 =	vmul.f32 v11, v3;
	v8 =	vsel vm3, v8, v9;
	v11 =	vadd.f32 $-5.000000000e-01, v2;
	v5 =	vld [tilespmem:s20+$0x20]  }
.Ltmp0:
0x3c: {  	v12 =	vand.u32 $0x7FFFFFFF, v7;
	vm3 =	vlt.f32 v2, $1.000000000e+00;
	v0 =	vadd.f32 v0, v8;
	v9 =	vld [tilespmem:s20+$0x88A0];
	(pc) =	sbr.rel @p0 .LBB2_2-.Ltmp0, $4  }
0x3d: {  	v14 =	vadd.f32 $-5.000000000e-01, v12;
	v13 =	vmul.f32 v10, v7;
	v3 =	vsel vm3, v3, v11;
	v8 =	vld [tilespmem:s20+$0x10]  }
0x3e: {  	vm3 =	vlt.f32 v12, $1.000000000e+00;
	v0 =	vadd.f32 v3, v0;
	v10 =	vld [tilespmem:s20+$0x8890];
	v2 =	vbroadcast v1, $0xC  }
0x3f: {  	v15 =	vsel vm3, v13, v14;
	v3 =	vbroadcast v1, $0x8;
	v7 =	vbroadcast v1, $0xD;
	v11 =	vld [tilespmem:s20+$0x0]  }
0x40: {  	s19 =	sadd.s32 $0x100, s19;
	v12 =	vbroadcast v1, $0xE;
	v13 =	vbroadcast v1, $0xF;
	v0 =	vadd.f32 v15, v0;
	v14 =	vld [tilespmem:s20+$0x8880]  }
0x41: {  	v15 =	vbroadcast v1, $0x4  }
0x42: {  	v16 =	vbroadcast v1, $0x9;
	v17 =	vbroadcast v1, $0xA  }
0x43: {  	v18 =	vbroadcast v1, $0xB;
	v4 =	vsub.f32 v4, v6;
	v6 =	vbroadcast v1, $0x0  }
0x44: {  	v19 =	vbroadcast v1, $0x5;
	v5 =	vsub.f32 v5, v9;
	v9 =	vbroadcast v1, $0x6  }
0x45: {  	v20 =	vbroadcast v1, $0x7;
	v21 =	vbroadcast v1, $0x3  }
0x46: {  	v12 =	vsel vm0, v13, v12;
	v8 =	vsub.f32 v8, v10;
	v10 =	vbroadcast v1, $0x2  }
0x47: {  	v1 =	vbroadcast v1, $0x1;
	v9 =	vsel vm0, v20, v9;
	v7 =	vsel vm1, v12, v7  }
0x48: {  	v9 =	vsel vm1, v9, v19;
	v2 =	vsel vm2, v7, v2;
	v10 =	vsel vm0, v21, v10  }
0x49: {  	v11 =	vsub.f32 v11, v14;
	v14 =	vsel vm0, v18, v17;
	v1 =	vsel vm1, v10, v1  }
0x4a: {  	vm4 =	vgt.s32 v2, $0x0;
	v10 =	vsel vm1, v14, v16;
	v1 =	vsel vm2, v1, v6  }
0x4b: {  	v4 =	vnsel vm4, $0x0, v4;
	v3 =	vsel vm2, v10, v3;
	vm3 =	vgt.s32 v1, $0x0  }
0x4c: {  	v1 =	vsel vm2, v9, v15;
	vm5 =	vgt.s32 v3, $0x0;
	v2 =	vnsel vm3, $0x0, v11  }
0x4d: {  	v12 =	vld [tilespmem:$0x8850];
	v9 =	vmul.f32 $5.000000000e-01, v4;
	vm3 =	vgt.s32 v1, $0x0;
	v3 =	vmul.f32 $5.000000000e-01, v2  }
0x4e: {  	v1 =	vld [tilespmem:$0x1330C];
	v5 =	vnsel vm5, $0x0, v5;
	v7 =	vand.u32 $0x7FFFFFFF, v2;
	v8 =	vnsel vm3, $0x0, v8  }
0x4f: {  	v14 =	vld [tilespmem:$0x110D0];
	v11 =	vmul.f32 $5.000000000e-01, v8;
	v2 =	vmul.f32 v3, v2;
	v3 =	vadd.f32 $-5.000000000e-01, v7  }
0x50: {  	v6 =	vld [tilespmem:$0x8840];
	v13 =	vmul.f32 $5.000000000e-01, v5;
	vm3 =	vlt.f32 v7, $1.000000000e+00;
	v7 =	vand.u32 $0x7FFFFFFF, v8  }
0x51: {  	v10 =	vld [tilespmem:$0x110C0];
	v2 =	vsel vm3, v2, v3;
	v3 =	vmul.f32 v11, v8;
	v8 =	vadd.f32 $-5.000000000e-01, v7  }
0x52: {  	s18 =	simm.s32 $0x0;
	v11 =	vld [tilespmem:$0x8860];
	vm3 =	vlt.f32 v7, $1.000000000e+00;
	v0 =	vadd.f32 v2, v0;
	v2 =	vand.u32 $0x7FFFFFFF, v5  }
0x53: {  	v7 =	vld [tilespmem:$0x110E0];
	[tilespmem:s18], [sflag:$0x1] =	stream.strided.gather [hbm4b:s6+s11], $0x8880, s12, s11, $0x38;
	v5 =	vmul.f32 v13, v5;
	v13 =	vbroadcast v1, $0x7;
	v3 =	vsel vm3, v3, v8  }
0x54: {  	v8 =	vadd.f32 $-5.000000000e-01, v2;
	v0 =	vadd.f32 v0, v3;
	v3 =	vbroadcast v1, $0x6  }
0x55: {  	v15 =	vbroadcast v1, $0x5;
	vm3 =	vlt.f32 v2, $1.000000000e+00;
	v2 =	vand.u32 $0x7FFFFFFF, v4;
	[tilespmem:s13], [sflag:$0x1] =	stream.strided.gather [hbm4b:s7+s11], $0x8880, s12, s11, $0x38;
	[tilespmem:$0x13400] =	vst v63  }
0x56: {  	s18 =	simm.s32 $0x11100;
	v5 =	vsel vm3, v5, v8;
	v8 =	vbroadcast v1, $0x4;
	v3 =	vsel vm0, v13, v3  }
0x57: {  	v4 =	vmul.f32 v9, v4;
	v9 =	vadd.f32 $-5.000000000e-01, v2;
	[tilespmem:s18], [sflag:$0x1] =	stream.strided.gather [hbm4b:s8+s11], $0x2280, s12, s11, $0x38;
	v3 =	vsel vm1, v3, v15;
	[tilespmem:$0x13400] =	vst v63  }
0x58: {  	vm3 =	vlt.f32 v2, $1.000000000e+00;
	_ =	swait.ge [sflag:s14], $0x8880;
	v2 =	vsel vm2, v3, v8;
	v3 =	vsub.f32 v6, v10  }
0x59: {  	v0 =	vadd.f32 v5, v0;
	v4 =	vsel vm3, v4, v9;
	[sflag:s14] =	ssyncset.done $0x0;
	vm3 =	vgt.s32 v2, $0x0  }
0x5a: {  	v5 =	vbroadcast v1, $0xB;
	[sflag:s14] =	ssyncadd.s32 $0xFFFF7780;
	v2 =	vnsel vm3, $0x0, v3;
	v3 =	vbroadcast v1, $0xA  }
0x5b: {  	v9 =	vbroadcast v1, $0xF;
	v0 =	vadd.f32 v4, v0;
	v6 =	vbroadcast v1, $0x9;
	_ =	swait.ge [sflag:s14], $0x8880  }
0x5c: {  	[sflag:s14] =	ssyncset.done $0x0;
	v8 =	vmul.f32 $5.000000000e-01, v2;
	v3 =	vsel vm0, v5, v3;
	v5 =	vbroadcast v1, $0x8  }
0x5d: {  	v4 =	vand.u32 $0x7FFFFFFF, v2;
	[sflag:s14] =	ssyncadd.s32 $0xFFFF7780;
	v3 =	vsel vm1, v3, v6;
	v6 =	vbroadcast v1, $0xE  }
0x5e: {  	_ =	swait.ge [sflag:s14], $0x2280;
	v8 =	vmul.f32 v8, v2;
	v2 =	vsel vm2, v3, v5;
	v3 =	vbroadcast v1, $0xD  }
0x5f: {  	[sflag:s14] =	ssyncset.done $0x0;
	v5 =	vsub.f32 v12, v14;
	v1 =	vbroadcast v1, $0xC;
	v6 =	vsel vm0, v9, v6  }
0x60: {  	s19 =	simm.s32 $0x0;
	[sflag:s14] =	ssyncadd.s32 $0xFFFFDD80;
	v9 =	vadd.f32 $-5.000000000e-01, v4;
	vm3 =	vgt.s32 v2, $0x0;
	v2 =	vsel vm1, v6, v3  }
0x61: {  	v14 =	vld [tilespmem:s19+$0x8880];
	v3 =	vnsel vm3, $0x0, v5;
	v5 =	vsub.f32 v11, v7;
	v1 =	vsel vm2, v2, v1  }
0x62: {  	vm3 =	vlt.f32 v4, $1.000000000e+00;
	v4 =	vmul.f32 $5.000000000e-01, v3;
	vm15 =	vgt.s32 v1, $0x0;
	v1 =	vld [tilespmem:s18+$0x0]  }
0x63: {  	v6 =	vld [tilespmem:s19+$0x20];
	v7 =	vsel vm3, v8, v9;
	v8 =	vand.u32 $0x7FFFFFFF, v3;
	v9 =	vnsel vm15, $0x0, v5  }
0x64: {  	v2 =	vld [tilespmem:s19+$0x30];
	v3 =	vmul.f32 v4, v3;
	v4 =	vadd.f32 $-5.000000000e-01, v8;
	v10 =	vmul.f32 $5.000000000e-01, v9  }
0x65: {  	v0 =	vadd.f32 v7, v0;
	vm3 =	vlt.f32 v8, $1.000000000e+00;
	v7 =	vld [tilespmem:s19+$0x88A0];
	v8 =	vand.u32 $0x7FFFFFFF, v9  }
0x66: {  	v5 =	vld [tilespmem:s19+$0x88B0];
	v3 =	vsel vm3, v3, v4;
	v11 =	vadd.f32 $-5.000000000e-01, v8;
	v4 =	vmul.f32 v10, v9  }
0x67: {  	vm3 =	vlt.f32 v8, $1.000000000e+00;
	v9 =	vld [tilespmem:s19+$0x10];
	v0 =	vadd.f32 v0, v3;
	v3 =	vbroadcast v1, $0xC  }
0x68: {  	v10 =	vld [tilespmem:s19+$0x8890];
	v8 =	vbroadcast v1, $0xD;
	v13 =	vbroadcast v1, $0xF;
	v12 =	vsel vm3, v4, v11  }
0x69: {  	v11 =	vld [tilespmem:s19+$0x0];
	v4 =	vbroadcast v1, $0x8;
	s19 =	simm.s32 $0x100;
	v0 =	vadd.f32 v12, v0;
	v12 =	vbroadcast v1, $0xE  }
.LBB2_4:
0x6a: {  	p0 =	sne.s32 s19, $0x22000;
	v15 =	vbroadcast v1, $0x4;
	v16 =	vbroadcast v1, $0x9  }
0x6b: {  	v17 =	vbroadcast v1, $0xA;
	v18 =	vbroadcast v1, $0xB;
	v2 =	vsub.f32 v2, v5  }
0x6c: {  	v5 =	vbroadcast v1, $0x0;
	v19 =	vbroadcast v1, $0x5;
	v6 =	vsub.f32 v6, v7  }
0x6d: {  	v7 =	vbroadcast v1, $0x6;
	v20 =	vbroadcast v1, $0x7;
	v9 =	vsub.f32 v9, v10  }
0x6e: {  	v21 =	vbroadcast v1, $0x3;
	v10 =	vbroadcast v1, $0x2;
	v11 =	vsub.f32 v11, v14  }
0x6f: {  	v12 =	vsel vm0, v13, v12;
	v1 =	vbroadcast v1, $0x1;
	v14 =	vsel vm0, v18, v17  }
0x70: {  	v7 =	vsel vm0, v20, v7;
	v8 =	vsel vm1, v12, v8;
	v10 =	vsel vm0, v21, v10  }
0x71: {  	v7 =	vsel vm1, v7, v19;
	v1 =	vsel vm1, v10, v1;
	v10 =	vsel vm1, v14, v16  }
0x72: {  	v3 =	vsel vm2, v8, v3;
	v1 =	vsel vm2, v1, v5;
	v4 =	vsel vm2, v10, v4  }
0x73: {  	vm4 =	vgt.s32 v3, $0x0;
	vm3 =	vgt.s32 v1, $0x0;
	v1 =	vsel vm2, v7, v15  }
0x74: {  	vm5 =	vgt.s32 v4, $0x0;
	v3 =	vnsel vm3, $0x0, v11;
	vm3 =	vgt.s32 v1, $0x0  }
0x75: {  	v8 =	vnsel vm4, $0x0, v2;
	v4 =	vnsel vm5, $0x0, v6;
	v1 =	vmul.f32 $5.000000000e-01, v3  }
0x76: {  	v10 =	vmul.f32 $5.000000000e-01, v8;
	v5 =	vand.u32 $0x7FFFFFFF, v3;
	v6 =	vnsel vm3, $0x0, v9  }
0x77: {  	s20 =	sshra.s32 s19, $0x2;
	v7 =	vadd.f32 $-5.000000000e-01, v5;
	v9 =	vmul.f32 $5.000000000e-01, v6;
	v3 =	vmul.f32 v1, v3  }
0x78: {  	s18 =	sadd.s32 $0x10, s18;
	v12 =	vmul.f32 $5.000000000e-01, v4;
	vm3 =	vlt.f32 v5, $1.000000000e+00;
	v11 =	vand.u32 $0x7FFFFFFF, v6;
	v2 =	vld [tilespmem:s20+$0x30]  }
0x79: {  	v3 =	vsel vm3, v3, v7;
	v7 =	vmul.f32 v9, v6;
	v9 =	vadd.f32 $-5.000000000e-01, v11;
	v1 =	vld [tilespmem:s18+$0x0]  }
0x7a: {  	vm3 =	vlt.f32 v11, $1.000000000e+00;
	v0 =	vadd.f32 v3, v0;
	v3 =	vand.u32 $0x7FFFFFFF, v4;
	v5 =	vld [tilespmem:s20+$0x88B0]  }
0x7b: {  	v4 =	vmul.f32 v12, v4;
	v9 =	vsel vm3, v7, v9;
	v11 =	vadd.f32 $-5.000000000e-01, v3;
	v6 =	vld [tilespmem:s20+$0x20]  }
.Ltmp1:
0x7c: {  	v12 =	vand.u32 $0x7FFFFFFF, v8;
	vm3 =	vlt.f32 v3, $1.000000000e+00;
	v0 =	vadd.f32 v0, v9;
	v7 =	vld [tilespmem:s20+$0x88A0];
	(pc) =	sbr.rel @p0 .LBB2_4-.Ltmp1, $4  }
0x7d: {  	v13 =	vmul.f32 v10, v8;
	v14 =	vadd.f32 $-5.000000000e-01, v12;
	v4 =	vsel vm3, v4, v11;
	v9 =	vld [tilespmem:s20+$0x10]  }
0x7e: {  	vm3 =	vlt.f32 v12, $1.000000000e+00;
	v0 =	vadd.f32 v4, v0;
	v10 =	vld [tilespmem:s20+$0x8890];
	v3 =	vbroadcast v1, $0xC  }
0x7f: {  	v15 =	vsel vm3, v13, v14;
	v4 =	vbroadcast v1, $0x8;
	v8 =	vbroadcast v1, $0xD;
	v11 =	vld [tilespmem:s20+$0x0]  }
0x80: {  	s19 =	sadd.s32 $0x100, s19;
	v12 =	vbroadcast v1, $0xE;
	v13 =	vbroadcast v1, $0xF;
	v0 =	vadd.f32 v15, v0;
	v14 =	vld [tilespmem:s20+$0x8880]  }
0x81: {  	v15 =	vbroadcast v1, $0x4  }
0x82: {  	v16 =	vbroadcast v1, $0x9;
	v17 =	vbroadcast v1, $0xA  }
0x83: {  	v18 =	vbroadcast v1, $0xB;
	v59 =	vbroadcast v1, $0x0  }
0x84: {  	v2 =	vsub.f32 v2, v5;
	v19 =	vbroadcast v1, $0x5;
	v60 =	vbroadcast v1, $0x6  }
0x85: {  	v6 =	vsub.f32 v6, v7;
	v61 =	vbroadcast v1, $0x2;
	v21 =	vbroadcast v1, $0x3  }
0x86: {  	v20 =	vbroadcast v1, $0x7;
	v62 =	vbroadcast v1, $0x1;
	v27 =	vld [tilespmem:$0x8840];
	v12 =	vsel vm0, v13, v12  }
0x87: {  	v29 =	vld [tilespmem:$0x110C0];
	v9 =	vsub.f32 v9, v10;
	v63 =	vsel vm0, v18, v17;
	v10 =	vsel vm0, v21, v61  }
0x88: {  	v44 =	vld [tilespmem:$0x8860];
	v7 =	vsel vm0, v20, v60;
	v8 =	vsel vm1, v12, v8;
	v1 =	vsel vm1, v10, v62  }
0x89: {  	v47 =	vld [tilespmem:$0x110E0];
	v7 =	vsel vm1, v7, v19;
	v12 =	vsel vm1, v63, v16;
	v3 =	vsel vm2, v8, v3  }
0x8a: {  	v21 =	vld [tilespmem:$0x1330C];
	v11 =	vsub.f32 v11, v14;
	v1 =	vsel vm2, v1, v59;
	v4 =	vsel vm2, v12, v4  }
0x8b: {  	v13 =	vsel vm2, v7, v15;
	vm4 =	vgt.s32 v3, $0x0;
	vm3 =	vgt.s32 v1, $0x0  }
0x8c: {  	vm5 =	vgt.s32 v4, $0x0;
	v2 =	vnsel vm4, $0x0, v2;
	v37 =	vsub.f32 v27, v29  }
0x8d: {  	v14 =	vnsel vm3, $0x0, v11;
	v4 =	vnsel vm5, $0x0, v6;
	v18 =	vmul.f32 $5.000000000e-01, v2  }
0x8e: {  	v55 =	vsub.f32 v44, v47;
	v15 =	vmul.f32 $5.000000000e-01, v14;
	v23 =	vmul.f32 $5.000000000e-01, v4  }
0x8f: {  	vm3 =	vgt.s32 v13, $0x0;
	v30 =	vbroadcast v21, $0x6;
	v31 =	vbroadcast v21, $0x7  }
0x90: {  	v32 =	vand.u32 $0x7FFFFFFF, v2;
	v33 =	vbroadcast v21, $0x5;
	v34 =	vbroadcast v21, $0x4  }
0x91: {  	v16 =	vand.u32 $0x7FFFFFFF, v14;
	v39 =	vbroadcast v21, $0xA;
	v40 =	vbroadcast v21, $0xB  }
0x92: {  	v17 =	vnsel vm3, $0x0, v9;
	v43 =	vbroadcast v21, $0x9;
	v46 =	vbroadcast v21, $0x8  }
0x93: {  	v26 =	vand.u32 $0x7FFFFFFF, v4;
	v48 =	vbroadcast v21, $0xE;
	v49 =	vbroadcast v21, $0xF  }
0x94: {  	v35 =	vadd.f32 $-5.000000000e-01, v32;
	v50 =	vbroadcast v21, $0xD;
	v52 =	vbroadcast v21, $0xC  }
0x95: {  	v19 =	vadd.f32 $-5.000000000e-01, v16;
	v20 =	vmul.f32 $5.000000000e-01, v17;
	v1 =	vmul.f32 v15, v14  }
0x96: {  	vm3 =	vlt.f32 v16, $1.000000000e+00;
	v22 =	vand.u32 $0x7FFFFFFF, v17;
	v28 =	vadd.f32 $-5.000000000e-01, v26  }
0x97: {  	v25 =	vadd.f32 $-5.000000000e-01, v22;
	v24 =	vmul.f32 v20, v17;
	v1 =	vsel vm3, v1, v19  }
0x98: {  	v38 =	vld [tilespmem:$0x8850];
	v2 =	vmul.f32 v18, v2;
	vm3 =	vlt.f32 v22, $1.000000000e+00;
	v0 =	vadd.f32 v1, v0  }
0x99: {  	v41 =	vld [tilespmem:$0x110D0];
	v4 =	vmul.f32 v23, v4;
	v51 =	vsel vm0, v49, v48;
	v3 =	vsel vm3, v24, v25  }
0x9a: {  	vm3 =	vlt.f32 v26, $1.000000000e+00;
	v0 =	vadd.f32 v0, v3;
	v3 =	vsel vm0, v31, v30  }
0x9b: {  	v4 =	vsel vm3, v4, v28;
	vm3 =	vlt.f32 v32, $1.000000000e+00;
	v3 =	vsel vm1, v3, v33  }
0x9c: {  	v54 =	vsel vm1, v51, v50;
	v2 =	vsel vm3, v2, v35;
	v36 =	vsel vm2, v3, v34  }
0x9d: {  	v0 =	vadd.f32 v4, v0;
	v4 =	vsel vm0, v40, v39;
	vm3 =	vgt.s32 v36, $0x0  }
0x9e: {  	v1 =	vsub.f32 v38, v41;
	v4 =	vsel vm1, v4, v43;
	v3 =	vnsel vm3, $0x0, v37  }
0x9f: {  	v0 =	vadd.f32 v2, v0;
	v4 =	vsel vm2, v4, v46;
	v42 =	vand.u32 $0x7FFFFFFF, v3  }
0xa0: {  	v45 =	vmul.f32 $5.000000000e-01, v3;
	vm3 =	vgt.s32 v4, $0x0;
	v4 =	vsel vm2, v54, v52  }
0xa1: {  	v53 =	vadd.f32 $-5.000000000e-01, v42;
	v1 =	vnsel vm3, $0x0, v1;
	vm15 =	vgt.s32 v4, $0x0  }
0xa2: {  	v3 =	vmul.f32 v45, v3;
	v56 =	vmul.f32 $5.000000000e-01, v1;
	v57 =	vand.u32 $0x7FFFFFFF, v1  }
0xa3: {  	vm3 =	vlt.f32 v42, $1.000000000e+00;
	v5 =	vnsel vm15, $0x0, v55;
	v58 =	vadd.f32 $-5.000000000e-01, v57  }
0xa4: {  	v59 =	vmul.f32 $5.000000000e-01, v5;
	v3 =	vsel vm3, v3, v53;
	v1 =	vmul.f32 v56, v1  }
0xa5: {  	v60 =	vand.u32 $0x7FFFFFFF, v5;
	vm3 =	vlt.f32 v57, $1.000000000e+00;
	v0 =	vadd.f32 v3, v0  }
0xa6: {  	v62 =	vadd.f32 $-5.000000000e-01, v60;
	v61 =	vmul.f32 v59, v5;
	v1 =	vsel vm3, v1, v58  }
0xa7: {  	vm3 =	vlt.f32 v60, $1.000000000e+00;
	v0 =	vadd.f32 v0, v1  }
0xa8: {  	v63 =	vsel vm3, v61, v62  }
0xa9: {  	s17 =	sadd.s32 $0x1, s17;
	v0 =	vadd.f32 v63, v0  }
0xaa: {  	p0 =	sne.s32 s17, s10  }
.Ltmp2:
0xab: {  	[tilespmem:$0x13380] =	vst v0;
	(pc) =	sbr.rel @p0 .LBB2_1-.Ltmp2, $4  }
0xac: {  	[hbm4b:s9+s2] =	stream.linear.scatter [tilespmem:s15], [sflag:$0x2], $0x80, $0x38;
	[tilespmem:$0x13400] =	vst v63  }
0xad: {  	_ =	swait.ge [sflag:s16], $0x80  }
0xae: {  	[sflag:s16] =	ssyncset.done $0x0  }
0xaf: {  	[sflag:s16] =	ssyncadd.s32 $0xFFFFFF80  }
0xb0: {  	_ =	sfence.sel $0x180000  }
0xb1: {  	[bflag:$0x0] =	sbarrier.arrive $0xFFFF  }
0xb2: {  	p0 =	sne.s32 s1, $0x0;
	_ =	strace $0x90000047  }
0xb3: {  	s0 =	sadd.s32 @!p0 $0x100000, s0;
	[bflag:$0x2] =	sbarrier.arrive $0xFFFF  }
0xb4: {  	[sflag:s0] =	ssyncadd.tile.s32 @!p0 $0x1;
	_ =	shalt  }
.Lfunc_end2:
_tile_overlayer_lowered:
.L_overlay_start_2:
0xb5: {  	(tag) =	ssettag $0x2  }
0xb6: {  	s0 =	rddreg [dreg:$0x0];
	s2 =	stileid.u32  }
0xb7: {  	s1 =	rddreg [dreg:$0x1];
	p0 =	sne.s32 s2, $0x0  }
0xb8: {  	s3 =	rddreg [dreg:$0x2];
	[bflag:$0x3] =	sbarrier.arrive $0xFFFF;
	s2 =	simm.s32 @!p0 $0x1C02  }
0xb9: {  	[timem:s3], [sflag:s2] =	dma.local @!p0 [hbm:s0], s1  }
0xba: {  	s0 =	simm.s32 @!p0 $0x2  }
0xbb: {  	_ =	swait.ge @!p0 [sflag:s0], s1  }
0xbc: {  	s1 =	ssub.s32 @!p0 $0x0, s1;
	[sflag:s0] =	ssyncset.done @!p0 $0x0  }
0xbd: {  	[sflag:s0] =	ssyncadd.s32 @!p0 s1  }
0xbe: {  	[bflag:$0x3] =	sbarrier.arrive $0xFFFF  }
0xbf: {  	_ =	shalt  }

</sc_bundles>
